<compile_context>
chip_gen: v7x
topology: tpu7x:2x2x1
jax: 0.10.2.dev20260603
libtpu: 0.0.44.dev20260713+nightly
codegen_flags: <defaults>
</compile_context>

<pallas_src>
import functools

import jax
import jax.numpy as jnp
from jax import lax
from jax.experimental import pallas as pl
from jax.experimental.pallas import tpu as pltpu
from jax.experimental.pallas import tpu_sc as plsc

_NN = 100000
_NE = 6400000
_NH = 8
_ROWS = _NE // 128
_NC, _NS = 2, 16
_NW = _NC * _NS
_CH_ROWS = 8
_CH_E = _CH_ROWS * 128
_CH_EL = _CH_E * _NH
_TOT_CH = _ROWS // _CH_ROWS
_BASE_CH = _TOT_CH // _NW
_EXTRA = _TOT_CH - _BASE_CH * _NW
_DRAIN = _NN // _NS

_LN2 = 0.6931471805599453
_C3, _C5, _C7 = 1.0 / 3.0, 1.0 / 5.0, 1.0 / 7.0


def _sc_body(inp_hbm, idx_hbm, zero_hbm, out_hbm,
             acc, vin0, vin1, vidx0, vidx1, vxl0, vxl1,
             in_sem0, in_sem1, scat_sem0, scat_sem1):
    cid = lax.axis_index("c")
    sid = lax.axis_index("s")
    wid = sid * _NC + cid

    bufs = ((vin0, vidx0, vxl0, in_sem0, scat_sem0),
            (vin1, vidx1, vxl1, in_sem1, scat_sem1))

    pltpu.sync_copy(zero_hbm, acc.at[pl.ds(sid * _DRAIN, _DRAIN), :])
    plsc.subcore_barrier()

    nch = _BASE_CH + jnp.where(wid < _EXTRA, 1, 0)
    start = wid * _BASE_CH + jnp.minimum(wid, _EXTRA)

    rowoff = lax.iota(jnp.int32, 16) >> 3
    coloff = lax.iota(jnp.int32, 16) & 7

    def issue_in(g, buf):
        vin, vidx, _, in_sem, _ = buf
        ch = start + g
        pltpu.async_copy(inp_hbm.at[pl.ds(ch * _CH_E, _CH_E), :], vin, in_sem)
        pltpu.async_copy(idx_hbm.at[pl.ds(ch * _CH_ROWS, _CH_ROWS), :], vidx,
                         in_sem)

    def wait_in(g, buf):
        vin, vidx, _, in_sem, _ = buf
        ch = start + g
        pltpu.make_async_copy(inp_hbm.at[pl.ds(ch * _CH_E, _CH_E), :], vin,
                              in_sem).wait()
        pltpu.make_async_copy(idx_hbm.at[pl.ds(ch * _CH_ROWS, _CH_ROWS), :],
                              vidx, in_sem).wait()

    def issue_scat(buf):
        _, vidx, vxl, _, scat_sem = buf

        def srow(j, c):
            pltpu.async_copy(vxl.at[pl.ds(j * 128, 128), :],
                             acc.at[vidx.at[j]], scat_sem, add=True)
            return c

        lax.fori_loop(0, _CH_ROWS, srow, 0)

    def wait_scat(buf):
        _, vidx, vxl, _, scat_sem = buf

        def srow(j, c):
            pltpu.make_async_copy(vxl.at[pl.ds(j * 128, 128), :],
                                  acc.at[vidx.at[j]], scat_sem).wait()
            return c

        lax.fori_loop(0, _CH_ROWS, srow, 0)

    def compute(buf):
        vin, _, vxl, _, _ = buf

        @plsc.parallel_loop(0, _CH_EL // 16, unroll=8)
        def grp(i):
            rows = 2 * i + rowoff
            x = plsc.load_gather(vin, [rows, coloff])
            b = plsc.bitcast(x, jnp.int32)
            e = (127 - (b >> 23)).astype(jnp.float32)
            m = plsc.bitcast((b & 0x7FFFFF) | 0x3F800000, jnp.float32)
            t = (1.0 - m) / (1.0 + m)
            t2 = t * t
            p = _C3 + t2 * (_C5 + t2 * _C7)
            nlog = e * _LN2 + (2.0 * t + 2.0 * t * t2 * p)
            val = x * nlog
            plsc.store_scatter(vxl, [rows, coloff], val)

    def process(g, this, other):
        @pl.when(g < nch)
        def _():
            wait_in(g, this)
            compute(this)

            @pl.when(g >= 1)
            def _():
                wait_scat(other)

            @pl.when(g + 1 < nch)
            def _():
                issue_in(g + 1, other)

            issue_scat(this)

    issue_in(0, bufs[0])

    def pair(k, c):
        process(2 * k, bufs[0], bufs[1])
        process(2 * k + 1, bufs[1], bufs[0])
        return c

    lax.fori_loop(0, (_BASE_CH + 2) // 2, pair, 0)

    @pl.when(lax.rem(nch - 1, 2) == 0)
    def _():
        wait_scat(bufs[0])

    @pl.when(lax.rem(nch - 1, 2) == 1)
    def _():
        wait_scat(bufs[1])

    plsc.subcore_barrier()
    pltpu.sync_copy(acc.at[pl.ds(sid * _DRAIN, _DRAIN), :],
                    out_hbm.at[cid, pl.ds(sid * _DRAIN, _DRAIN), :])


_sc_entropy = functools.partial(
    pl.kernel,
    out_type=jax.ShapeDtypeStruct((_NC, _NN, _NH), jnp.float32),
    mesh=plsc.VectorSubcoreMesh(core_axis_name="c", subcore_axis_name="s"),
    scratch_types=[
        pltpu.VMEM_SHARED((_NN, _NH), jnp.float32),
        pltpu.VMEM((_CH_E, _NH), jnp.float32),
        pltpu.VMEM((_CH_E, _NH), jnp.float32),
        pltpu.VMEM((_CH_ROWS, 128), jnp.int32),
        pltpu.VMEM((_CH_ROWS, 128), jnp.int32),
        pltpu.VMEM((_CH_E, _NH), jnp.float32),
        pltpu.VMEM((_CH_E, _NH), jnp.float32),
        pltpu.SemaphoreType.DMA,
        pltpu.SemaphoreType.DMA,
        pltpu.SemaphoreType.DMA,
        pltpu.SemaphoreType.DMA,
    ],
    compiler_params=pltpu.CompilerParams(use_tc_tiling_on_sc=False,
                                         needs_layout_passes=False),
)(_sc_body)


def _combine_body(p_ref, o_ref):
    o_ref[...] = p_ref[0] + p_ref[1]


def kernel(input, edge_index):
    idx2d = edge_index.reshape(_ROWS, 128)
    zeros = jnp.zeros((_DRAIN, _NH), jnp.float32)
    partials = _sc_entropy(input, idx2d, zeros)
    p3 = partials.reshape(_NC, _NN * _NH // 128, 128)
    out = pl.pallas_call(
        _combine_body,
        out_shape=jax.ShapeDtypeStruct((_NN * _NH // 128, 128), jnp.float32),
    )(p3)
    return out.reshape(_NN, _NH)

# --- scband reference (transcript-rebuilt; emitter-appended) ---
"""Pipeline reference for scband-hook-entropy-layer-55637006353163 (READ-ONLY COPY).

The authoritative reference and input builder live on the scoring server;
editing this copy changes nothing except your own understanding.
"""

import jax, jax.numpy as jnp
import numpy as np

N_NODES = 100000
N_EDGES = 6400000
N_HEADS = 8


def setup_inputs(seed: int = 0) -> dict:
    key = jax.random.key(seed)
    k1, k2 = jax.random.split(key)
    # positive probabilities in (0, 1]; clamp away from 0 so log is finite
    inp = jax.random.uniform(k1, (N_EDGES, N_HEADS), dtype=jnp.float32, minval=1e-6, maxval=1.0)
    edge_index = jax.random.randint(k2, (N_EDGES,), 0, N_NODES, dtype=jnp.int32)
    return {"input": inp, "edge_index": edge_index}


def reference(input, edge_index):
    log = jnp.log(input)
    xlogx = jnp.multiply(log, input)
    entropy = -jax.ops.segment_sum(xlogx, edge_index, num_segments=N_NODES)
    return entropy

if __name__ == "__main__":
    import jax
    _d = setup_inputs()
    print(jax.jit(kernel)(*tuple(_d.values())))

</pallas_src>

<mosaic_0001>
#map = affine_map<(d0, d1) -> (0, 0)>
#map1 = affine_map<(d0, d1) -> (0, 0, 0)>
module attributes {stable_mosaic.version = 14 : i64} {
  func.func @_sc_body(%arg0: i32, %arg1: i32, %arg2: memref<6400000x8xf32, #tpu.memory_space<hbm>>, %arg3: memref<50000x128xi32, #tpu.memory_space<hbm>>, %arg4: memref<6250x8xf32, #tpu.memory_space<hbm>>, %arg5: memref<2x100000x8xf32, #tpu.memory_space<hbm>>, %arg6: memref<100000x8xf32, #tpu.memory_space<vmem_shared>>, %arg7: memref<1024x8xf32, #tpu.memory_space<vmem>>, %arg8: memref<1024x8xf32, #tpu.memory_space<vmem>>, %arg9: memref<8x128xi32, #tpu.memory_space<vmem>>, %arg10: memref<8x128xi32, #tpu.memory_space<vmem>>, %arg11: memref<1024x8xf32, #tpu.memory_space<vmem>>, %arg12: memref<1024x8xf32, #tpu.memory_space<vmem>>, %arg13: memref<!tpu.dma_semaphore, #tpu.memory_space<semaphore_mem>>, %arg14: memref<!tpu.dma_semaphore, #tpu.memory_space<semaphore_mem>>, %arg15: memref<!tpu.dma_semaphore, #tpu.memory_space<semaphore_mem>>, %arg16: memref<!tpu.dma_semaphore, #tpu.memory_space<semaphore_mem>>) attributes {dimension_semantics = [#tpu.dimension_semantics<core_parallel>, #tpu.dimension_semantics<subcore_parallel>], iteration_bounds = array<i64: 2, 16>, scalar_prefetch = 0 : i64, scratch_operands = 11 : i64, tpu.core_type = #tpu.core_type<sc_vector_subcore>, window_params = [{transform_indices = #map}, {transform_indices = #map}, {transform_indices = #map}, {transform_indices = #map1}]} {
    %mul3A = arith.constant 2 : i32
    %mul3A_0 = arith.muli %arg1, %mul3A : i32
    %add3A = arith.addi %mul3A_0, %arg0 : i32
    %mul3A_1 = arith.constant 6250 : i32
    %mul3A_2 = arith.muli %arg1, %mul3A_1 : i32
    "tpu.region"() ({
      %run_scoped3A = tpu.sem_alloc : memref<!tpu.dma_semaphore, #tpu.memory_space<semaphore_mem>>
      %dma_start3A_52 = arith.constant 0 : i32
      %dma_start3A_53 = tpu.memref_slice %arg6[%mul3A_2, %dma_start3A_52] : memref<100000x8xf32, #tpu.memory_space<vmem_shared>> -> memref<6250x8xf32, #tpu.memory_space<vmem_shared>>
      tpu.enqueue_dma source(%arg4 : memref<6250x8xf32, #tpu.memory_space<hbm>>) target(%dma_start3A_53 : memref<6250x8xf32, #tpu.memory_space<vmem_shared>>) target_semaphore(%run_scoped3A : memref<!tpu.dma_semaphore, #tpu.memory_space<semaphore_mem>>)
      %dma_wait3A = arith.constant 0 : i32
      %dma_wait3A_54 = tpu.memref_slice %arg6[%mul3A_2, %dma_wait3A] : memref<100000x8xf32, #tpu.memory_space<vmem_shared>> -> memref<6250x8xf32, #tpu.memory_space<vmem_shared>>
      tpu.wait_dma2 semaphore(%run_scoped3A : memref<!tpu.dma_semaphore, #tpu.memory_space<semaphore_mem>>) src(%arg4 : memref<6250x8xf32, #tpu.memory_space<hbm>>) dst(%dma_wait3A_54 : memref<6250x8xf32, #tpu.memory_space<vmem_shared>>)
      tpu.yield
    }) : () -> ()
    %barrier3A = arith.constant 0 : index
    tpu.barrier barrier_id(%barrier3A)
    %lt3A = arith.constant 10 : i32
    %lt3A_3 = arith.cmpi slt, %add3A, %lt3A : i32
    %jit3A = arith.constant 1 : i32
    %jit3A_4 = arith.constant 0 : i32
    %select_n3A = arith.select %lt3A_3, %jit3A, %jit3A_4 : i32
    %add3A_5 = arith.constant 195 : i32
    %add3A_6 = arith.addi %add3A_5, %select_n3A : i32
    %mul3A_7 = arith.constant 195 : i32
    %mul3A_8 = arith.muli %add3A, %mul3A_7 : i32
    %min3A = arith.constant 10 : i32
    %min3A_9 = arith.minsi %add3A, %min3A : i32
    %add3A_10 = arith.addi %mul3A_8, %min3A_9 : i32
    %iota3A = tpu.iota {dimensions = array<i32: 0>} : vector<16xi32>
    %shift_right_arithmetic3A = arith.constant 3 : i32
    %shift_right_arithmetic3A_11 = vector.broadcast %shift_right_arithmetic3A : i32 to vector<16xi32>
    %shift_right_arithmetic3A_12 = arith.shrsi %iota3A, %shift_right_arithmetic3A_11 : vector<16xi32>
    %iota3A_13 = tpu.iota {dimensions = array<i32: 0>} : vector<16xi32>
    %and3A = arith.constant 7 : i32
    %and3A_14 = vector.broadcast %and3A : i32 to vector<16xi32>
    %and3A_15 = arith.andi %iota3A_13, %and3A_14 : vector<16xi32>
    %add3A_16 = arith.constant 0 : i32
    %add3A_17 = arith.addi %add3A_10, %add3A_16 : i32
    %mul3A_18 = arith.constant 1024 : i32
    %mul3A_19 = arith.muli %add3A_17, %mul3A_18 : i32
    %dma_start3A = arith.constant 0 : i32
    %dma_start3A_20 = tpu.memref_slice %arg2[%mul3A_19, %dma_start3A] : memref<6400000x8xf32, #tpu.memory_space<hbm>> -> memref<1024x8xf32, #tpu.memory_space<hbm>>
    %dma_start3A_21 = arith.constant 0 : i32
    %dma_start3A_22 = tpu.memref_slice %arg2[%mul3A_19, %dma_start3A_21] : memref<6400000x8xf32, #tpu.memory_space<hbm>> -> memref<1024x8xf32, #tpu.memory_space<hbm>>
    tpu.enqueue_dma source(%dma_start3A_22 : memref<1024x8xf32, #tpu.memory_space<hbm>>) target(%arg7 : memref<1024x8xf32, #tpu.memory_space<vmem>>) target_semaphore(%arg13 : memref<!tpu.dma_semaphore, #tpu.memory_space<semaphore_mem>>)
    %mul3A_23 = arith.constant 8 : i32
    %mul3A_24 = arith.muli %add3A_17, %mul3A_23 : i32
    %dma_start3A_25 = arith.constant 0 : i32
    %dma_start3A_26 = tpu.memref_slice %arg3[%mul3A_24, %dma_start3A_25] : memref<50000x128xi32, #tpu.memory_space<hbm>> -> memref<8x128xi32, #tpu.memory_space<hbm>>
    %dma_start3A_27 = arith.constant 0 : i32
    %dma_start3A_28 = tpu.memref_slice %arg3[%mul3A_24, %dma_start3A_27] : memref<50000x128xi32, #tpu.memory_space<hbm>> -> memref<8x128xi32, #tpu.memory_space<hbm>>
    tpu.enqueue_dma source(%dma_start3A_28 : memref<8x128xi32, #tpu.memory_space<hbm>>) target(%arg9 : memref<8x128xi32, #tpu.memory_space<vmem>>) target_semaphore(%arg13 : memref<!tpu.dma_semaphore, #tpu.memory_space<semaphore_mem>>)
    %scan3A = arith.constant 0 : i32
    %scan3A_29 = arith.constant 0 : i32
    %scan3A_30 = arith.constant 98 : i32
    %scan3A_31 = arith.addi %scan3A_29, %scan3A_30 : i32
    %scan3A_32 = arith.constant 1 : i32
    scf.for %scan3A_52 = %scan3A_29 to %scan3A_31 step %scan3A_32  : i32 {
      %mul3A_53 = arith.constant 2 : i32
      %mul3A_54 = arith.muli %mul3A_53, %scan3A_52 : i32
      %lt3A_55 = arith.cmpi slt, %mul3A_54, %add3A_6 : i32
      %convert_element_type3A_56 = arith.extui %lt3A_55 : i1 to i32
      %cond3A_57 = arith.constant 0 : i32
      %cond3A_58 = arith.cmpi ne, %convert_element_type3A_56, %cond3A_57 : i32
      scf.if %cond3A_58 {
        %add3A_67 = arith.addi %add3A_10, %mul3A_54 : i32
        %mul3A_68 = arith.constant 1024 : i32
        %mul3A_69 = arith.muli %add3A_67, %mul3A_68 : i32
        %dma_wait3A = arith.constant 0 : i32
        %dma_wait3A_70 = tpu.memref_slice %arg2[%mul3A_69, %dma_wait3A] : memref<6400000x8xf32, #tpu.memory_space<hbm>> -> memref<1024x8xf32, #tpu.memory_space<hbm>>
        %dma_wait3A_71 = arith.constant 0 : i32
        %dma_wait3A_72 = tpu.memref_slice %arg2[%mul3A_69, %dma_wait3A_71] : memref<6400000x8xf32, #tpu.memory_space<hbm>> -> memref<1024x8xf32, #tpu.memory_space<hbm>>
        tpu.wait_dma2 semaphore(%arg13 : memref<!tpu.dma_semaphore, #tpu.memory_space<semaphore_mem>>) src(%dma_wait3A_72 : memref<1024x8xf32, #tpu.memory_space<hbm>>) dst(%arg7 : memref<1024x8xf32, #tpu.memory_space<vmem>>)
        %mul3A_73 = arith.constant 8 : i32
        %mul3A_74 = arith.muli %add3A_67, %mul3A_73 : i32
        %dma_wait3A_75 = arith.constant 0 : i32
        %dma_wait3A_76 = tpu.memref_slice %arg3[%mul3A_74, %dma_wait3A_75] : memref<50000x128xi32, #tpu.memory_space<hbm>> -> memref<8x128xi32, #tpu.memory_space<hbm>>
        %dma_wait3A_77 = arith.constant 0 : i32
        %dma_wait3A_78 = tpu.memref_slice %arg3[%mul3A_74, %dma_wait3A_77] : memref<50000x128xi32, #tpu.memory_space<hbm>> -> memref<8x128xi32, #tpu.memory_space<hbm>>
        tpu.wait_dma2 semaphore(%arg13 : memref<!tpu.dma_semaphore, #tpu.memory_space<semaphore_mem>>) src(%dma_wait3A_78 : memref<8x128xi32, #tpu.memory_space<hbm>>) dst(%arg9 : memref<8x128xi32, #tpu.memory_space<vmem>>)
        %parallel_loop3A = arith.constant 0 : i32
        %parallel_loop3A_79 = arith.constant 512 : i32
        %parallel_loop3A_80 = arith.constant 1 : i32
        scf.for %parallel_loop3A_97 = %parallel_loop3A to %parallel_loop3A_79 step %parallel_loop3A_80  : i32 {
          %parallel_loop3A_98 = arith.constant 2 : i32
          %parallel_loop3A_99 = arith.muli %parallel_loop3A_98, %parallel_loop3A_97 : i32
          %parallel_loop3A_100 = vector.broadcast %parallel_loop3A_99 : i32 to vector<16xi32>
          %parallel_loop3A_101 = arith.addi %parallel_loop3A_100, %shift_right_arithmetic3A_12 : vector<16xi32>
          %parallel_loop3A_102 = tpu.vector_load_idx %arg7[%parallel_loop3A_101, %and3A_15] : memref<1024x8xf32, #tpu.memory_space<vmem>>[vector<16xi32>, vector<16xi32>], vector<16xf32>,
          %parallel_loop3A_103 = vector.bitcast %parallel_loop3A_102 : vector<16xf32> to vector<16xi32>
          %parallel_loop3A_104 = arith.constant 23 : i32
          %parallel_loop3A_105 = vector.broadcast %parallel_loop3A_104 : i32 to vector<16xi32>
          %parallel_loop3A_106 = arith.shrsi %parallel_loop3A_103, %parallel_loop3A_105 : vector<16xi32>
          %parallel_loop3A_107 = arith.constant 127 : i32
          %parallel_loop3A_108 = vector.broadcast %parallel_loop3A_107 : i32 to vector<16xi32>
          %parallel_loop3A_109 = arith.subi %parallel_loop3A_108, %parallel_loop3A_106 : vector<16xi32>
          %parallel_loop3A_110 = arith.sitofp %parallel_loop3A_109 : vector<16xi32> to vector<16xf32>
          %parallel_loop3A_111 = arith.constant 8388607 : i32
          %parallel_loop3A_112 = vector.broadcast %parallel_loop3A_111 : i32 to vector<16xi32>
          %parallel_loop3A_113 = arith.andi %parallel_loop3A_103, %parallel_loop3A_112 : vector<16xi32>
          %parallel_loop3A_114 = arith.constant 1065353216 : i32
          %parallel_loop3A_115 = vector.broadcast %parallel_loop3A_114 : i32 to vector<16xi32>
          %parallel_loop3A_116 = arith.ori %parallel_loop3A_113, %parallel_loop3A_115 : vector<16xi32>
          %parallel_loop3A_117 = vector.bitcast %parallel_loop3A_116 : vector<16xi32> to vector<16xf32>
          %parallel_loop3A_118 = arith.constant 1.000000e+00 : f32
          %parallel_loop3A_119 = vector.broadcast %parallel_loop3A_118 : f32 to vector<16xf32>
          %parallel_loop3A_120 = arith.subf %parallel_loop3A_119, %parallel_loop3A_117 : vector<16xf32>
          %parallel_loop3A_121 = arith.constant 1.000000e+00 : f32
          %parallel_loop3A_122 = vector.broadcast %parallel_loop3A_121 : f32 to vector<16xf32>
          %parallel_loop3A_123 = arith.addf %parallel_loop3A_122, %parallel_loop3A_117 : vector<16xf32>
          %parallel_loop3A_124 = arith.divf %parallel_loop3A_120, %parallel_loop3A_123 : vector<16xf32>
          %parallel_loop3A_125 = arith.mulf %parallel_loop3A_124, %parallel_loop3A_124 : vector<16xf32>
          %parallel_loop3A_126 = arith.constant 0.142857149 : f32
          %parallel_loop3A_127 = vector.broadcast %parallel_loop3A_126 : f32 to vector<16xf32>
          %parallel_loop3A_128 = arith.mulf %parallel_loop3A_125, %parallel_loop3A_127 : vector<16xf32>
          %parallel_loop3A_129 = arith.constant 2.000000e-01 : f32
          %parallel_loop3A_130 = vector.broadcast %parallel_loop3A_129 : f32 to vector<16xf32>
          %parallel_loop3A_131 = arith.addf %parallel_loop3A_130, %parallel_loop3A_128 : vector<16xf32>
          %parallel_loop3A_132 = arith.mulf %parallel_loop3A_125, %parallel_loop3A_131 : vector<16xf32>
          %parallel_loop3A_133 = arith.constant 0.333333343 : f32
          %parallel_loop3A_134 = vector.broadcast %parallel_loop3A_133 : f32 to vector<16xf32>
          %parallel_loop3A_135 = arith.addf %parallel_loop3A_134, %parallel_loop3A_132 : vector<16xf32>
          %parallel_loop3A_136 = arith.constant 0.693147182 : f32
          %parallel_loop3A_137 = vector.broadcast %parallel_loop3A_136 : f32 to vector<16xf32>
          %parallel_loop3A_138 = arith.mulf %parallel_loop3A_110, %parallel_loop3A_137 : vector<16xf32>
          %parallel_loop3A_139 = arith.constant 2.000000e+00 : f32
          %parallel_loop3A_140 = vector.broadcast %parallel_loop3A_139 : f32 to vector<16xf32>
          %parallel_loop3A_141 = arith.mulf %parallel_loop3A_140, %parallel_loop3A_124 : vector<16xf32>
          %parallel_loop3A_142 = arith.constant 2.000000e+00 : f32
          %parallel_loop3A_143 = vector.broadcast %parallel_loop3A_142 : f32 to vector<16xf32>
          %parallel_loop3A_144 = arith.mulf %parallel_loop3A_143, %parallel_loop3A_124 : vector<16xf32>
          %parallel_loop3A_145 = arith.mulf %parallel_loop3A_144, %parallel_loop3A_125 : vector<16xf32>
          %parallel_loop3A_146 = arith.mulf %parallel_loop3A_145, %parallel_loop3A_135 : vector<16xf32>
          %parallel_loop3A_147 = arith.addf %parallel_loop3A_141, %parallel_loop3A_146 : vector<16xf32>
          %parallel_loop3A_148 = arith.addf %parallel_loop3A_138, %parallel_loop3A_147 : vector<16xf32>
          %parallel_loop3A_149 = arith.mulf %parallel_loop3A_102, %parallel_loop3A_148 : vector<16xf32>
          tpu.vector_store_idx %arg11[%parallel_loop3A_101, %and3A_15], %parallel_loop3A_149 : memref<1024x8xf32, #tpu.memory_space<vmem>>[vector<16xi32>, vector<16xi32>], vector<16xf32>,
        } {sc.loop_unroll_factor = 8 : i64, sc.parallel_access}
        %ge3A = arith.constant 1 : i32
        %ge3A_81 = arith.cmpi sge, %mul3A_54, %ge3A : i32
        %convert_element_type3A_82 = arith.extui %ge3A_81 : i1 to i32
        %cond3A_83 = arith.constant 0 : i32
        %cond3A_84 = arith.cmpi ne, %convert_element_type3A_82, %cond3A_83 : i32
        scf.if %cond3A_84 {
          %scan3A_97 = arith.constant 0 : i32
          %scan3A_98 = arith.constant 0 : i32
          %scan3A_99 = arith.constant 8 : i32
          %scan3A_100 = arith.addi %scan3A_98, %scan3A_99 : i32
          %scan3A_101 = arith.constant 1 : i32
          scf.for %scan3A_103 = %scan3A_98 to %scan3A_100 step %scan3A_101  : i32 {
            %mul3A_104 = arith.constant 128 : i32
            %mul3A_105 = arith.muli %scan3A_103, %mul3A_104 : i32
            %dma_wait3A_106 = arith.constant 0 : i32
            %dma_wait3A_107 = tpu.memref_slice %arg12[%mul3A_105, %dma_wait3A_106] : memref<1024x8xf32, #tpu.memory_space<vmem>> -> memref<128x8xf32, #tpu.memory_space<vmem>>
            %dma_wait3A_108 = arith.constant 0 : i32
            %dma_wait3A_109 = tpu.memref_slice %arg10[%scan3A_103, %dma_wait3A_108] : memref<8x128xi32, #tpu.memory_space<vmem>> -> memref<1x128xi32, #tpu.memory_space<vmem>>
            %dma_wait3A_110 = tpu.memref_squeeze %dma_wait3A_109 : memref<1x128xi32, #tpu.memory_space<vmem>> -> memref<128xi32, #tpu.memory_space<vmem>>
            %dma_wait3A_111 = arith.constant 0 : i32
            %dma_wait3A_112 = arith.constant 0 : i32
            %dma_wait3A_113 = tpu.memref_slice %arg6[%dma_wait3A_111, %dma_wait3A_112] : memref<100000x8xf32, #tpu.memory_space<vmem_shared>> -> memref<100000x8xf32, #tpu.memory_space<vmem_shared>>
            tpu.wait_indirect_dma semaphore(%arg16 : memref<!tpu.dma_semaphore, #tpu.memory_space<semaphore_mem>>) src(%dma_wait3A_107 : memref<128x8xf32, #tpu.memory_space<vmem>>) dst(%dma_wait3A_113 : memref<100000x8xf32, #tpu.memory_space<vmem_shared>>)
          }
          %scan3A_102 = arith.constant 8 : i32
        } else {
        }
        %add3A_85 = arith.constant 1 : i32
        %add3A_86 = arith.addi %mul3A_54, %add3A_85 : i32
        %lt3A_87 = arith.cmpi slt, %add3A_86, %add3A_6 : i32
        %convert_element_type3A_88 = arith.extui %lt3A_87 : i1 to i32
        %cond3A_89 = arith.constant 0 : i32
        %cond3A_90 = arith.cmpi ne, %convert_element_type3A_88, %cond3A_89 : i32
        scf.if %cond3A_90 {
          %add3A_97 = arith.constant 1 : i32
          %add3A_98 = arith.addi %mul3A_54, %add3A_97 : i32
          %add3A_99 = arith.addi %add3A_10, %add3A_98 : i32
          %mul3A_100 = arith.constant 1024 : i32
          %mul3A_101 = arith.muli %add3A_99, %mul3A_100 : i32
          %dma_start3A_102 = arith.constant 0 : i32
          %dma_start3A_103 = tpu.memref_slice %arg2[%mul3A_101, %dma_start3A_102] : memref<6400000x8xf32, #tpu.memory_space<hbm>> -> memref<1024x8xf32, #tpu.memory_space<hbm>>
          %dma_start3A_104 = arith.constant 0 : i32
          %dma_start3A_105 = tpu.memref_slice %arg2[%mul3A_101, %dma_start3A_104] : memref<6400000x8xf32, #tpu.memory_space<hbm>> -> memref<1024x8xf32, #tpu.memory_space<hbm>>
          tpu.enqueue_dma source(%dma_start3A_105 : memref<1024x8xf32, #tpu.memory_space<hbm>>) target(%arg8 : memref<1024x8xf32, #tpu.memory_space<vmem>>) target_semaphore(%arg14 : memref<!tpu.dma_semaphore, #tpu.memory_space<semaphore_mem>>)
          %mul3A_106 = arith.constant 8 : i32
          %mul3A_107 = arith.muli %add3A_99, %mul3A_106 : i32
          %dma_start3A_108 = arith.constant 0 : i32
          %dma_start3A_109 = tpu.memref_slice %arg3[%mul3A_107, %dma_start3A_108] : memref<50000x128xi32, #tpu.memory_space<hbm>> -> memref<8x128xi32, #tpu.memory_space<hbm>>
          %dma_start3A_110 = arith.constant 0 : i32
          %dma_start3A_111 = tpu.memref_slice %arg3[%mul3A_107, %dma_start3A_110] : memref<50000x128xi32, #tpu.memory_space<hbm>> -> memref<8x128xi32, #tpu.memory_space<hbm>>
          tpu.enqueue_dma source(%dma_start3A_111 : memref<8x128xi32, #tpu.memory_space<hbm>>) target(%arg10 : memref<8x128xi32, #tpu.memory_space<vmem>>) target_semaphore(%arg14 : memref<!tpu.dma_semaphore, #tpu.memory_space<semaphore_mem>>)
        } else {
        }
        %scan3A_91 = arith.constant 0 : i32
        %scan3A_92 = arith.constant 0 : i32
        %scan3A_93 = arith.constant 8 : i32
        %scan3A_94 = arith.addi %scan3A_92, %scan3A_93 : i32
        %scan3A_95 = arith.constant 1 : i32
        scf.for %scan3A_97 = %scan3A_92 to %scan3A_94 step %scan3A_95  : i32 {
          %mul3A_98 = arith.constant 128 : i32
          %mul3A_99 = arith.muli %scan3A_97, %mul3A_98 : i32
          %dma_start3A_100 = arith.constant 0 : i32
          %dma_start3A_101 = tpu.memref_slice %arg11[%mul3A_99, %dma_start3A_100] : memref<1024x8xf32, #tpu.memory_space<vmem>> -> memref<128x8xf32, #tpu.memory_space<vmem>>
          %dma_start3A_102 = arith.constant 0 : i32
          %dma_start3A_103 = tpu.memref_slice %arg9[%scan3A_97, %dma_start3A_102] : memref<8x128xi32, #tpu.memory_space<vmem>> -> memref<1x128xi32, #tpu.memory_space<vmem>>
          %dma_start3A_104 = tpu.memref_squeeze %dma_start3A_103 : memref<1x128xi32, #tpu.memory_space<vmem>> -> memref<128xi32, #tpu.memory_space<vmem>>
          %dma_start3A_105 = arith.constant 0 : i32
          %dma_start3A_106 = arith.constant 0 : i32
          %dma_start3A_107 = tpu.memref_slice %arg6[%dma_start3A_105, %dma_start3A_106] : memref<100000x8xf32, #tpu.memory_space<vmem_shared>> -> memref<100000x8xf32, #tpu.memory_space<vmem_shared>>
          tpu.enqueue_indirect_dma source(%dma_start3A_101 : memref<128x8xf32, #tpu.memory_space<vmem>>) target(%dma_start3A_107 : memref<100000x8xf32, #tpu.memory_space<vmem_shared>>) offsets(%dma_start3A_104 : memref<128xi32, #tpu.memory_space<vmem>>) semaphore(%arg15 : memref<!tpu.dma_semaphore, #tpu.memory_space<semaphore_mem>>) {add = true}
        }
        %scan3A_96 = arith.constant 8 : i32
      } else {
      }
      %mul3A_59 = arith.constant 2 : i32
      %mul3A_60 = arith.muli %mul3A_59, %scan3A_52 : i32
      %add3A_61 = arith.constant 1 : i32
      %add3A_62 = arith.addi %mul3A_60, %add3A_61 : i32
      %lt3A_63 = arith.cmpi slt, %add3A_62, %add3A_6 : i32
      %convert_element_type3A_64 = arith.extui %lt3A_63 : i1 to i32
      %cond3A_65 = arith.constant 0 : i32
      %cond3A_66 = arith.cmpi ne, %convert_element_type3A_64, %cond3A_65 : i32
      scf.if %cond3A_66 {
        %add3A_67 = arith.addi %add3A_10, %add3A_62 : i32
        %mul3A_68 = arith.constant 1024 : i32
        %mul3A_69 = arith.muli %add3A_67, %mul3A_68 : i32
        %dma_wait3A = arith.constant 0 : i32
        %dma_wait3A_70 = tpu.memref_slice %arg2[%mul3A_69, %dma_wait3A] : memref<6400000x8xf32, #tpu.memory_space<hbm>> -> memref<1024x8xf32, #tpu.memory_space<hbm>>
        %dma_wait3A_71 = arith.constant 0 : i32
        %dma_wait3A_72 = tpu.memref_slice %arg2[%mul3A_69, %dma_wait3A_71] : memref<6400000x8xf32, #tpu.memory_space<hbm>> -> memref<1024x8xf32, #tpu.memory_space<hbm>>
        tpu.wait_dma2 semaphore(%arg14 : memref<!tpu.dma_semaphore, #tpu.memory_space<semaphore_mem>>) src(%dma_wait3A_72 : memref<1024x8xf32, #tpu.memory_space<hbm>>) dst(%arg8 : memref<1024x8xf32, #tpu.memory_space<vmem>>)
        %mul3A_73 = arith.constant 8 : i32
        %mul3A_74 = arith.muli %add3A_67, %mul3A_73 : i32
        %dma_wait3A_75 = arith.constant 0 : i32
        %dma_wait3A_76 = tpu.memref_slice %arg3[%mul3A_74, %dma_wait3A_75] : memref<50000x128xi32, #tpu.memory_space<hbm>> -> memref<8x128xi32, #tpu.memory_space<hbm>>
        %dma_wait3A_77 = arith.constant 0 : i32
        %dma_wait3A_78 = tpu.memref_slice %arg3[%mul3A_74, %dma_wait3A_77] : memref<50000x128xi32, #tpu.memory_space<hbm>> -> memref<8x128xi32, #tpu.memory_space<hbm>>
        tpu.wait_dma2 semaphore(%arg14 : memref<!tpu.dma_semaphore, #tpu.memory_space<semaphore_mem>>) src(%dma_wait3A_78 : memref<8x128xi32, #tpu.memory_space<hbm>>) dst(%arg10 : memref<8x128xi32, #tpu.memory_space<vmem>>)
        %parallel_loop3A = arith.constant 0 : i32
        %parallel_loop3A_79 = arith.constant 512 : i32
        %parallel_loop3A_80 = arith.constant 1 : i32
        scf.for %parallel_loop3A_97 = %parallel_loop3A to %parallel_loop3A_79 step %parallel_loop3A_80  : i32 {
          %parallel_loop3A_98 = arith.constant 2 : i32
          %parallel_loop3A_99 = arith.muli %parallel_loop3A_98, %parallel_loop3A_97 : i32
          %parallel_loop3A_100 = vector.broadcast %parallel_loop3A_99 : i32 to vector<16xi32>
          %parallel_loop3A_101 = arith.addi %parallel_loop3A_100, %shift_right_arithmetic3A_12 : vector<16xi32>
          %parallel_loop3A_102 = tpu.vector_load_idx %arg8[%parallel_loop3A_101, %and3A_15] : memref<1024x8xf32, #tpu.memory_space<vmem>>[vector<16xi32>, vector<16xi32>], vector<16xf32>,
          %parallel_loop3A_103 = vector.bitcast %parallel_loop3A_102 : vector<16xf32> to vector<16xi32>
          %parallel_loop3A_104 = arith.constant 23 : i32
          %parallel_loop3A_105 = vector.broadcast %parallel_loop3A_104 : i32 to vector<16xi32>
          %parallel_loop3A_106 = arith.shrsi %parallel_loop3A_103, %parallel_loop3A_105 : vector<16xi32>
          %parallel_loop3A_107 = arith.constant 127 : i32
          %parallel_loop3A_108 = vector.broadcast %parallel_loop3A_107 : i32 to vector<16xi32>
          %parallel_loop3A_109 = arith.subi %parallel_loop3A_108, %parallel_loop3A_106 : vector<16xi32>
          %parallel_loop3A_110 = arith.sitofp %parallel_loop3A_109 : vector<16xi32> to vector<16xf32>
          %parallel_loop3A_111 = arith.constant 8388607 : i32
          %parallel_loop3A_112 = vector.broadcast %parallel_loop3A_111 : i32 to vector<16xi32>
          %parallel_loop3A_113 = arith.andi %parallel_loop3A_103, %parallel_loop3A_112 : vector<16xi32>
          %parallel_loop3A_114 = arith.constant 1065353216 : i32
          %parallel_loop3A_115 = vector.broadcast %parallel_loop3A_114 : i32 to vector<16xi32>
          %parallel_loop3A_116 = arith.ori %parallel_loop3A_113, %parallel_loop3A_115 : vector<16xi32>
          %parallel_loop3A_117 = vector.bitcast %parallel_loop3A_116 : vector<16xi32> to vector<16xf32>
          %parallel_loop3A_118 = arith.constant 1.000000e+00 : f32
          %parallel_loop3A_119 = vector.broadcast %parallel_loop3A_118 : f32 to vector<16xf32>
          %parallel_loop3A_120 = arith.subf %parallel_loop3A_119, %parallel_loop3A_117 : vector<16xf32>
          %parallel_loop3A_121 = arith.constant 1.000000e+00 : f32
          %parallel_loop3A_122 = vector.broadcast %parallel_loop3A_121 : f32 to vector<16xf32>
          %parallel_loop3A_123 = arith.addf %parallel_loop3A_122, %parallel_loop3A_117 : vector<16xf32>
          %parallel_loop3A_124 = arith.divf %parallel_loop3A_120, %parallel_loop3A_123 : vector<16xf32>
          %parallel_loop3A_125 = arith.mulf %parallel_loop3A_124, %parallel_loop3A_124 : vector<16xf32>
          %parallel_loop3A_126 = arith.constant 0.142857149 : f32
          %parallel_loop3A_127 = vector.broadcast %parallel_loop3A_126 : f32 to vector<16xf32>
          %parallel_loop3A_128 = arith.mulf %parallel_loop3A_125, %parallel_loop3A_127 : vector<16xf32>
          %parallel_loop3A_129 = arith.constant 2.000000e-01 : f32
          %parallel_loop3A_130 = vector.broadcast %parallel_loop3A_129 : f32 to vector<16xf32>
          %parallel_loop3A_131 = arith.addf %parallel_loop3A_130, %parallel_loop3A_128 : vector<16xf32>
          %parallel_loop3A_132 = arith.mulf %parallel_loop3A_125, %parallel_loop3A_131 : vector<16xf32>
          %parallel_loop3A_133 = arith.constant 0.333333343 : f32
          %parallel_loop3A_134 = vector.broadcast %parallel_loop3A_133 : f32 to vector<16xf32>
          %parallel_loop3A_135 = arith.addf %parallel_loop3A_134, %parallel_loop3A_132 : vector<16xf32>
          %parallel_loop3A_136 = arith.constant 0.693147182 : f32
          %parallel_loop3A_137 = vector.broadcast %parallel_loop3A_136 : f32 to vector<16xf32>
          %parallel_loop3A_138 = arith.mulf %parallel_loop3A_110, %parallel_loop3A_137 : vector<16xf32>
          %parallel_loop3A_139 = arith.constant 2.000000e+00 : f32
          %parallel_loop3A_140 = vector.broadcast %parallel_loop3A_139 : f32 to vector<16xf32>
          %parallel_loop3A_141 = arith.mulf %parallel_loop3A_140, %parallel_loop3A_124 : vector<16xf32>
          %parallel_loop3A_142 = arith.constant 2.000000e+00 : f32
          %parallel_loop3A_143 = vector.broadcast %parallel_loop3A_142 : f32 to vector<16xf32>
          %parallel_loop3A_144 = arith.mulf %parallel_loop3A_143, %parallel_loop3A_124 : vector<16xf32>
          %parallel_loop3A_145 = arith.mulf %parallel_loop3A_144, %parallel_loop3A_125 : vector<16xf32>
          %parallel_loop3A_146 = arith.mulf %parallel_loop3A_145, %parallel_loop3A_135 : vector<16xf32>
          %parallel_loop3A_147 = arith.addf %parallel_loop3A_141, %parallel_loop3A_146 : vector<16xf32>
          %parallel_loop3A_148 = arith.addf %parallel_loop3A_138, %parallel_loop3A_147 : vector<16xf32>
          %parallel_loop3A_149 = arith.mulf %parallel_loop3A_102, %parallel_loop3A_148 : vector<16xf32>
          tpu.vector_store_idx %arg12[%parallel_loop3A_101, %and3A_15], %parallel_loop3A_149 : memref<1024x8xf32, #tpu.memory_space<vmem>>[vector<16xi32>, vector<16xi32>], vector<16xf32>,
        } {sc.loop_unroll_factor = 8 : i64, sc.parallel_access}
        %ge3A = arith.constant 1 : i32
        %ge3A_81 = arith.cmpi sge, %add3A_62, %ge3A : i32
        %convert_element_type3A_82 = arith.extui %ge3A_81 : i1 to i32
        %cond3A_83 = arith.constant 0 : i32
        %cond3A_84 = arith.cmpi ne, %convert_element_type3A_82, %cond3A_83 : i32
        scf.if %cond3A_84 {
          %scan3A_97 = arith.constant 0 : i32
          %scan3A_98 = arith.constant 0 : i32
          %scan3A_99 = arith.constant 8 : i32
          %scan3A_100 = arith.addi %scan3A_98, %scan3A_99 : i32
          %scan3A_101 = arith.constant 1 : i32
          scf.for %scan3A_103 = %scan3A_98 to %scan3A_100 step %scan3A_101  : i32 {
            %mul3A_104 = arith.constant 128 : i32
            %mul3A_105 = arith.muli %scan3A_103, %mul3A_104 : i32
            %dma_wait3A_106 = arith.constant 0 : i32
            %dma_wait3A_107 = tpu.memref_slice %arg11[%mul3A_105, %dma_wait3A_106] : memref<1024x8xf32, #tpu.memory_space<vmem>> -> memref<128x8xf32, #tpu.memory_space<vmem>>
            %dma_wait3A_108 = arith.constant 0 : i32
            %dma_wait3A_109 = tpu.memref_slice %arg9[%scan3A_103, %dma_wait3A_108] : memref<8x128xi32, #tpu.memory_space<vmem>> -> memref<1x128xi32, #tpu.memory_space<vmem>>
            %dma_wait3A_110 = tpu.memref_squeeze %dma_wait3A_109 : memref<1x128xi32, #tpu.memory_space<vmem>> -> memref<128xi32, #tpu.memory_space<vmem>>
            %dma_wait3A_111 = arith.constant 0 : i32
            %dma_wait3A_112 = arith.constant 0 : i32
            %dma_wait3A_113 = tpu.memref_slice %arg6[%dma_wait3A_111, %dma_wait3A_112] : memref<100000x8xf32, #tpu.memory_space<vmem_shared>> -> memref<100000x8xf32, #tpu.memory_space<vmem_shared>>
            tpu.wait_indirect_dma semaphore(%arg15 : memref<!tpu.dma_semaphore, #tpu.memory_space<semaphore_mem>>) src(%dma_wait3A_107 : memref<128x8xf32, #tpu.memory_space<vmem>>) dst(%dma_wait3A_113 : memref<100000x8xf32, #tpu.memory_space<vmem_shared>>)
          }
          %scan3A_102 = arith.constant 8 : i32
        } else {
        }
        %add3A_85 = arith.constant 1 : i32
        %add3A_86 = arith.addi %add3A_62, %add3A_85 : i32
        %lt3A_87 = arith.cmpi slt, %add3A_86, %add3A_6 : i32
        %convert_element_type3A_88 = arith.extui %lt3A_87 : i1 to i32
        %cond3A_89 = arith.constant 0 : i32
        %cond3A_90 = arith.cmpi ne, %convert_element_type3A_88, %cond3A_89 : i32
        scf.if %cond3A_90 {
          %add3A_97 = arith.constant 1 : i32
          %add3A_98 = arith.addi %add3A_62, %add3A_97 : i32
          %add3A_99 = arith.addi %add3A_10, %add3A_98 : i32
          %mul3A_100 = arith.constant 1024 : i32
          %mul3A_101 = arith.muli %add3A_99, %mul3A_100 : i32
          %dma_start3A_102 = arith.constant 0 : i32
          %dma_start3A_103 = tpu.memref_slice %arg2[%mul3A_101, %dma_start3A_102] : memref<6400000x8xf32, #tpu.memory_space<hbm>> -> memref<1024x8xf32, #tpu.memory_space<hbm>>
          %dma_start3A_104 = arith.constant 0 : i32
          %dma_start3A_105 = tpu.memref_slice %arg2[%mul3A_101, %dma_start3A_104] : memref<6400000x8xf32, #tpu.memory_space<hbm>> -> memref<1024x8xf32, #tpu.memory_space<hbm>>
          tpu.enqueue_dma source(%dma_start3A_105 : memref<1024x8xf32, #tpu.memory_space<hbm>>) target(%arg7 : memref<1024x8xf32, #tpu.memory_space<vmem>>) target_semaphore(%arg13 : memref<!tpu.dma_semaphore, #tpu.memory_space<semaphore_mem>>)
          %mul3A_106 = arith.constant 8 : i32
          %mul3A_107 = arith.muli %add3A_99, %mul3A_106 : i32
          %dma_start3A_108 = arith.constant 0 : i32
          %dma_start3A_109 = tpu.memref_slice %arg3[%mul3A_107, %dma_start3A_108] : memref<50000x128xi32, #tpu.memory_space<hbm>> -> memref<8x128xi32, #tpu.memory_space<hbm>>
          %dma_start3A_110 = arith.constant 0 : i32
          %dma_start3A_111 = tpu.memref_slice %arg3[%mul3A_107, %dma_start3A_110] : memref<50000x128xi32, #tpu.memory_space<hbm>> -> memref<8x128xi32, #tpu.memory_space<hbm>>
          tpu.enqueue_dma source(%dma_start3A_111 : memref<8x128xi32, #tpu.memory_space<hbm>>) target(%arg9 : memref<8x128xi32, #tpu.memory_space<vmem>>) target_semaphore(%arg13 : memref<!tpu.dma_semaphore, #tpu.memory_space<semaphore_mem>>)
        } else {
        }
        %scan3A_91 = arith.constant 0 : i32
        %scan3A_92 = arith.constant 0 : i32
        %scan3A_93 = arith.constant 8 : i32
        %scan3A_94 = arith.addi %scan3A_92, %scan3A_93 : i32
        %scan3A_95 = arith.constant 1 : i32
        scf.for %scan3A_97 = %scan3A_92 to %scan3A_94 step %scan3A_95  : i32 {
          %mul3A_98 = arith.constant 128 : i32
          %mul3A_99 = arith.muli %scan3A_97, %mul3A_98 : i32
          %dma_start3A_100 = arith.constant 0 : i32
          %dma_start3A_101 = tpu.memref_slice %arg12[%mul3A_99, %dma_start3A_100] : memref<1024x8xf32, #tpu.memory_space<vmem>> -> memref<128x8xf32, #tpu.memory_space<vmem>>
          %dma_start3A_102 = arith.constant 0 : i32
          %dma_start3A_103 = tpu.memref_slice %arg10[%scan3A_97, %dma_start3A_102] : memref<8x128xi32, #tpu.memory_space<vmem>> -> memref<1x128xi32, #tpu.memory_space<vmem>>
          %dma_start3A_104 = tpu.memref_squeeze %dma_start3A_103 : memref<1x128xi32, #tpu.memory_space<vmem>> -> memref<128xi32, #tpu.memory_space<vmem>>
          %dma_start3A_105 = arith.constant 0 : i32
          %dma_start3A_106 = arith.constant 0 : i32
          %dma_start3A_107 = tpu.memref_slice %arg6[%dma_start3A_105, %dma_start3A_106] : memref<100000x8xf32, #tpu.memory_space<vmem_shared>> -> memref<100000x8xf32, #tpu.memory_space<vmem_shared>>
          tpu.enqueue_indirect_dma source(%dma_start3A_101 : memref<128x8xf32, #tpu.memory_space<vmem>>) target(%dma_start3A_107 : memref<100000x8xf32, #tpu.memory_space<vmem_shared>>) offsets(%dma_start3A_104 : memref<128xi32, #tpu.memory_space<vmem>>) semaphore(%arg16 : memref<!tpu.dma_semaphore, #tpu.memory_space<semaphore_mem>>) {add = true}
        }
        %scan3A_96 = arith.constant 8 : i32
      } else {
      }
    }
    %scan3A_33 = arith.constant 98 : i32
    %sub3A = arith.constant 1 : i32
    %sub3A_34 = arith.subi %add3A_6, %sub3A : i32
    %rem3A = arith.constant 2 : i32
    %rem3A_35 = arith.remsi %sub3A_34, %rem3A : i32
    %eq3A = arith.constant 0 : i32
    %eq3A_36 = arith.cmpi eq, %rem3A_35, %eq3A : i32
    %convert_element_type3A = arith.extui %eq3A_36 : i1 to i32
    %cond3A = arith.constant 0 : i32
    %cond3A_37 = arith.cmpi ne, %convert_element_type3A, %cond3A : i32
    scf.if %cond3A_37 {
      %scan3A_52 = arith.constant 0 : i32
      %scan3A_53 = arith.constant 0 : i32
      %scan3A_54 = arith.constant 8 : i32
      %scan3A_55 = arith.addi %scan3A_53, %scan3A_54 : i32
      %scan3A_56 = arith.constant 1 : i32
      scf.for %scan3A_58 = %scan3A_53 to %scan3A_55 step %scan3A_56  : i32 {
        %mul3A_59 = arith.constant 128 : i32
        %mul3A_60 = arith.muli %scan3A_58, %mul3A_59 : i32
        %dma_wait3A = arith.constant 0 : i32
        %dma_wait3A_61 = tpu.memref_slice %arg11[%mul3A_60, %dma_wait3A] : memref<1024x8xf32, #tpu.memory_space<vmem>> -> memref<128x8xf32, #tpu.memory_space<vmem>>
        %dma_wait3A_62 = arith.constant 0 : i32
        %dma_wait3A_63 = tpu.memref_slice %arg9[%scan3A_58, %dma_wait3A_62] : memref<8x128xi32, #tpu.memory_space<vmem>> -> memref<1x128xi32, #tpu.memory_space<vmem>>
        %dma_wait3A_64 = tpu.memref_squeeze %dma_wait3A_63 : memref<1x128xi32, #tpu.memory_space<vmem>> -> memref<128xi32, #tpu.memory_space<vmem>>
        %dma_wait3A_65 = arith.constant 0 : i32
        %dma_wait3A_66 = arith.constant 0 : i32
        %dma_wait3A_67 = tpu.memref_slice %arg6[%dma_wait3A_65, %dma_wait3A_66] : memref<100000x8xf32, #tpu.memory_space<vmem_shared>> -> memref<100000x8xf32, #tpu.memory_space<vmem_shared>>
        tpu.wait_indirect_dma semaphore(%arg15 : memref<!tpu.dma_semaphore, #tpu.memory_space<semaphore_mem>>) src(%dma_wait3A_61 : memref<128x8xf32, #tpu.memory_space<vmem>>) dst(%dma_wait3A_67 : memref<100000x8xf32, #tpu.memory_space<vmem_shared>>)
      }
      %scan3A_57 = arith.constant 8 : i32
    } else {
    }
    %sub3A_38 = arith.constant 1 : i32
    %sub3A_39 = arith.subi %add3A_6, %sub3A_38 : i32
    %rem3A_40 = arith.constant 2 : i32
    %rem3A_41 = arith.remsi %sub3A_39, %rem3A_40 : i32
    %eq3A_42 = arith.constant 1 : i32
    %eq3A_43 = arith.cmpi eq, %rem3A_41, %eq3A_42 : i32
    %convert_element_type3A_44 = arith.extui %eq3A_43 : i1 to i32
    %cond3A_45 = arith.constant 0 : i32
    %cond3A_46 = arith.cmpi ne, %convert_element_type3A_44, %cond3A_45 : i32
    scf.if %cond3A_46 {
      %scan3A_52 = arith.constant 0 : i32
      %scan3A_53 = arith.constant 0 : i32
      %scan3A_54 = arith.constant 8 : i32
      %scan3A_55 = arith.addi %scan3A_53, %scan3A_54 : i32
      %scan3A_56 = arith.constant 1 : i32
      scf.for %scan3A_58 = %scan3A_53 to %scan3A_55 step %scan3A_56  : i32 {
        %mul3A_59 = arith.constant 128 : i32
        %mul3A_60 = arith.muli %scan3A_58, %mul3A_59 : i32
        %dma_wait3A = arith.constant 0 : i32
        %dma_wait3A_61 = tpu.memref_slice %arg12[%mul3A_60, %dma_wait3A] : memref<1024x8xf32, #tpu.memory_space<vmem>> -> memref<128x8xf32, #tpu.memory_space<vmem>>
        %dma_wait3A_62 = arith.constant 0 : i32
        %dma_wait3A_63 = tpu.memref_slice %arg10[%scan3A_58, %dma_wait3A_62] : memref<8x128xi32, #tpu.memory_space<vmem>> -> memref<1x128xi32, #tpu.memory_space<vmem>>
        %dma_wait3A_64 = tpu.memref_squeeze %dma_wait3A_63 : memref<1x128xi32, #tpu.memory_space<vmem>> -> memref<128xi32, #tpu.memory_space<vmem>>
        %dma_wait3A_65 = arith.constant 0 : i32
        %dma_wait3A_66 = arith.constant 0 : i32
        %dma_wait3A_67 = tpu.memref_slice %arg6[%dma_wait3A_65, %dma_wait3A_66] : memref<100000x8xf32, #tpu.memory_space<vmem_shared>> -> memref<100000x8xf32, #tpu.memory_space<vmem_shared>>
        tpu.wait_indirect_dma semaphore(%arg16 : memref<!tpu.dma_semaphore, #tpu.memory_space<semaphore_mem>>) src(%dma_wait3A_61 : memref<128x8xf32, #tpu.memory_space<vmem>>) dst(%dma_wait3A_67 : memref<100000x8xf32, #tpu.memory_space<vmem_shared>>)
      }
      %scan3A_57 = arith.constant 8 : i32
    } else {
    }
    %barrier3A_47 = arith.constant 0 : index
    tpu.barrier barrier_id(%barrier3A_47)
    %mul3A_48 = arith.constant 6250 : i32
    %mul3A_49 = arith.muli %arg1, %mul3A_48 : i32
    %mul3A_50 = arith.constant 6250 : i32
    %mul3A_51 = arith.muli %arg1, %mul3A_50 : i32
    "tpu.region"() ({
      %run_scoped3A = tpu.sem_alloc : memref<!tpu.dma_semaphore, #tpu.memory_space<semaphore_mem>>
      %dma_start3A_52 = arith.constant 0 : i32
      %dma_start3A_53 = tpu.memref_slice %arg5[%arg0, %mul3A_51, %dma_start3A_52] : memref<2x100000x8xf32, #tpu.memory_space<hbm>> -> memref<1x6250x8xf32, #tpu.memory_space<hbm>>
      %dma_start3A_54 = tpu.memref_squeeze %dma_start3A_53 : memref<1x6250x8xf32, #tpu.memory_space<hbm>> -> memref<6250x8xf32, #tpu.memory_space<hbm>>
      %dma_start3A_55 = arith.constant 0 : i32
      %dma_start3A_56 = tpu.memref_slice %arg6[%mul3A_49, %dma_start3A_55] : memref<100000x8xf32, #tpu.memory_space<vmem_shared>> -> memref<6250x8xf32, #tpu.memory_space<vmem_shared>>
      tpu.enqueue_dma source(%dma_start3A_56 : memref<6250x8xf32, #tpu.memory_space<vmem_shared>>) target(%dma_start3A_54 : memref<6250x8xf32, #tpu.memory_space<hbm>>) target_semaphore(%run_scoped3A : memref<!tpu.dma_semaphore, #tpu.memory_space<semaphore_mem>>)
      %dma_wait3A = arith.constant 0 : i32
      %dma_wait3A_57 = tpu.memref_slice %arg5[%arg0, %mul3A_51, %dma_wait3A] : memref<2x100000x8xf32, #tpu.memory_space<hbm>> -> memref<1x6250x8xf32, #tpu.memory_space<hbm>>
      %dma_wait3A_58 = tpu.memref_squeeze %dma_wait3A_57 : memref<1x6250x8xf32, #tpu.memory_space<hbm>> -> memref<6250x8xf32, #tpu.memory_space<hbm>>
      %dma_wait3A_59 = arith.constant 0 : i32
      %dma_wait3A_60 = tpu.memref_slice %arg6[%mul3A_49, %dma_wait3A_59] : memref<100000x8xf32, #tpu.memory_space<vmem_shared>> -> memref<6250x8xf32, #tpu.memory_space<vmem_shared>>
      tpu.wait_dma2 semaphore(%run_scoped3A : memref<!tpu.dma_semaphore, #tpu.memory_space<semaphore_mem>>) src(%dma_wait3A_60 : memref<6250x8xf32, #tpu.memory_space<vmem_shared>>) dst(%dma_wait3A_58 : memref<6250x8xf32, #tpu.memory_space<hbm>>)
      tpu.yield
    }) : () -> ()
    return
  }
}

module attributes {stable_mosaic.version = 14 : i64} {
  func.func @_combine_body(%arg0: memref<2x6250x128xf32, #tpu.memory_space<vmem>>, %arg1: memref<6250x128xf32, #tpu.memory_space<vmem>>) attributes {dimension_semantics = [], scalar_prefetch = 0 : i64, scratch_operands = 0 : i64, tpu.core_type = #tpu.core_type<tc>} {
    %get3A = arith.constant 0 : index
    %get3A_0 = arith.constant 0 : index
    %get3A_1 = arith.constant 0 : index
    %get3A_2 = vector.load %arg0[%get3A, %get3A_0, %get3A_1] : memref<2x6250x128xf32, #tpu.memory_space<vmem>>, vector<1x6250x128xf32>
    %get3A_3 = vector.shape_cast %get3A_2 : vector<1x6250x128xf32> to vector<6250x128xf32>
    %get3A_4 = arith.constant 1 : index
    %get3A_5 = arith.constant 0 : index
    %get3A_6 = arith.constant 0 : index
    %get3A_7 = vector.load %arg0[%get3A_4, %get3A_5, %get3A_6] : memref<2x6250x128xf32, #tpu.memory_space<vmem>>, vector<1x6250x128xf32>
    %get3A_8 = vector.shape_cast %get3A_7 : vector<1x6250x128xf32> to vector<6250x128xf32>
    %add3A = arith.addf %get3A_3, %get3A_8 : vector<6250x128xf32>
    %swap3A = arith.constant 0 : index
    %swap3A_9 = arith.constant 0 : index
    %swap3A_10 = vector.load %arg1[%swap3A, %swap3A_9] : memref<6250x128xf32, #tpu.memory_space<vmem>>, vector<6250x128xf32>
    tpu.vector_store %arg1[%swap3A, %swap3A_9], %add3A {strides = array<i32>} : memref<6250x128xf32, #tpu.memory_space<vmem>>, vector<6250x128xf32>,
    return
  }
}

</mosaic_0001>

<sc_bundles>
// kernel: kernel.4.cloned.1.call-start
scs
__scs_entry_jumppad:
0x0: {  	(pc) =	sbr.rel $0x88, $3  }
0x1: {  	(tag) =	ssettag $0x0;
	lr =	simm.s32 $0x1  }
0x2: {  	[smem:$0x3F9F] =	sst lr;
	_ =	strace $0xD0000000  }
0x3: {  	_ = 	snop  }
0x4: {  	_ = 	snop  }
0x5: {  	_ = 	snop  }
0x6: {  	_ = 	snop  }
0x7: {  	_ = 	snop  }
__scs_overlays_trampoline_lowered:
0x8: {  	[smem:$0x3FAE] =	sst s0  }
0x9: {  	[smem:$0x3FAF] =	sst s1  }
0xa: {  	[smem:$0x3FB0] =	sst s2  }
0xb: {  	[smem:$0x3FB1] =	sst s3  }
0xc: {  	[smem:$0x3FB2] =	sst s4  }
0xd: {  	[smem:$0x3FB3] =	sst s5  }
0xe: {  	[smem:$0x3FB4] =	sst s6  }
0xf: {  	[smem:$0x3FB5] =	sst s7  }
0x10: {  	[smem:$0x3FB6] =	sst s8  }
0x11: {  	[smem:$0x3FB7] =	sst s9;
	s0 =	simm.s32 @!p0 $0x0  }
0x12: {  	s1 =	sld [smem:$0x3F9D];
	s0 =	simm.s32 @p0 $0x1  }
0x13: {  	[smem:$0x3FB8] =	sst s0;
	s0 =	simm.s32 @!p1 $0x0  }
0x14: {  	s2 =	sld [smem:$0x3F9C];
	s0 =	simm.s32 @p1 $0x1  }
0x15: {  	[smem:$0x3FB9] =	sst s0;
	s0 =	simm.s32 @!p2 $0x0  }
0x16: {  	s3 =	sld [smem:$0x3FDB];
	s0 =	simm.s32 @p2 $0x1  }
0x17: {  	s4 =	simm.s32 $0x1BF5;
	[smem:$0x3FBB] =	sst s0  }
0x18: {  	s0 =	sld [smem:$0x3F9E];
	_ =	swait.ge [sflag:s4], $0x0  }
0x19: {  	s7 =	sld [smem:$0x3F9F]  }
0x1a: {  	s8 =	sadd.s32 $0xFFFFE003, lr  }
0x1b: {  	s9 =	sadd.s32 $0xFFFFFEF7, lr;
	s5 =	simm.s32 $0xFFFFFFFF;
	p2 =	slt.u32 s8, $0xFFFFF086  }
0x1c: {  	p1 =	slt.u32 s9, $0xF7A;
	s5 =	simm.s32 @!p2 $0x0  }
0x1d: {  	s5 =	simm.s32 @p1 $0x1;
	p0 =	seq.s32 s7, s2  }
0x1e: {  	s7 =	smul.u32 @!p0 $0xF7A, s2;
	p2 =	seq.s32 @!p0 s5, $0x0  }
0x1f: {  	s9 =	smul.u32 $0xF7A, s1;
	s8 =	simm.s32 @!p0 $0x1BF5;
	p2 =	por !p2, p0  }
0x20: {  	[sflag:s8] =	ssyncset.s32 @!p0 $0xFFFFF086;
	s6 =	sadd.s32 @!p0 s3, s7;
	s7 =	simm.s32 @!p0 $0x108  }
0x21: {  	s3 =	sadd.s32 s3, s9;
	s6 =	sadd.s32 @!p0 $0x88, s6;
	s7 =	simm.s32 @p2 $0x1082  }
0x22: {  	[simem:s7], [sflag:s8] =	dma.local @!p0 [hbm:s6], $0xF7A  }
0x23: {  	s9 =	sor.u32 $0xD0000000, s2;
	s6 =	simm.s32 $0x108;
	_ =	swait.ge @!p0 [sflag:s8], $0x0  }
0x24: {  	s3 =	sadd.s32 $0x88, s3;
	s6 =	simm.s32 @!p1 $0x1082;
	[sflag:s4] =	ssyncset.s32 $0xFFFFF086  }
0x25: {  	[simem:s6], [sflag:s4] =	dma.local [hbm:s3], $0xF7A  }
0x26: {  	[smem:$0x3F9F] =	sst s1;
	(tag) =	ssettag s2;
	_ =	strace s9  }
0x27: {  	s1 =	sld [smem:$0x3FAF]  }
0x28: {  	s2 =	sld [smem:$0x3FB0]  }
0x29: {  	s4 =	sld [smem:$0x3FB2]  }
0x2a: {  	p0 =	seq.s32 s5, $0x0;
	s5 =	sld [smem:$0x3FB3]  }
0x2b: {  	s6 =	sld [smem:$0x3FB4]  }
0x2c: {  	s7 =	sld [smem:$0x3FB5]  }
0x2d: {  	s3 =	simm.s32 $0x108;
	s8 =	sld [smem:$0x3FB6]  }
0x2e: {  	s3 =	simm.s32 @!p0 $0x1082;
	s9 =	sld [smem:$0x3FB7]  }
0x2f: {  	lr =	sadd.s32 s0, s3;
	s0 =	sld [smem:$0x3FAE]  }
0x30: {  	s3 =	sld [smem:$0x3FB1]  }
0x31: {  	[smem:$0x3FBA] =	sst s10  }
0x32: {  	s10 =	sld [smem:$0x3FB8];
	_ =	sdelay $0x3  }
0x33: {  	p0 =	seq.s32 s10, $0x1;
	s10 =	sld [smem:$0x3FBA];
	_ =	sdelay $0x3  }
0x34: {  	[smem:$0x3FBA] =	sst s10  }
0x35: {  	s10 =	sld [smem:$0x3FB9];
	_ =	sdelay $0x3  }
0x36: {  	p1 =	seq.s32 s10, $0x1;
	s10 =	sld [smem:$0x3FBA];
	_ =	sdelay $0x3  }
0x37: {  	[smem:$0x3FBA] =	sst s10  }
0x38: {  	s10 =	sld [smem:$0x3FBB]  }
0x39: {  	_ = 	snop;
	(pc) =	sbr.ind lr, $3  }
0x3a: {  	_ = 	snop  }
0x3b: {  	_ = 	snop  }
0x3c: {  	p2 =	seq.s32 s10, $0x1;
	s10 =	sld [smem:$0x3FBA]  }
0x3d: {  	_ =	shalt  }
0x3e: {  	_ =	shalt  }
0x3f: {  	_ =	shalt  }
0x40: {  	_ =	shalt  }
0x41: {  	_ =	shalt  }
0x42: {  	_ =	shalt  }
0x43: {  	_ =	shalt  }
0x44: {  	_ =	shalt  }
0x45: {  	_ =	shalt  }
0x46: {  	_ =	shalt  }
0x47: {  	_ =	shalt  }
0x48: {  	_ =	shalt  }
0x49: {  	_ =	shalt  }
0x4a: {  	_ =	shalt  }
0x4b: {  	_ =	shalt  }
0x4c: {  	_ =	shalt  }
0x4d: {  	_ =	shalt  }
0x4e: {  	_ =	shalt  }
0x4f: {  	_ =	shalt  }
0x50: {  	_ =	shalt  }
0x51: {  	_ =	shalt  }
0x52: {  	_ =	shalt  }
0x53: {  	_ =	shalt  }
0x54: {  	_ =	shalt  }
0x55: {  	_ =	shalt  }
0x56: {  	_ =	shalt  }
0x57: {  	_ =	shalt  }
0x58: {  	_ =	shalt  }
0x59: {  	_ =	shalt  }
0x5a: {  	_ =	shalt  }
0x5b: {  	_ =	shalt  }
0x5c: {  	_ =	shalt  }
0x5d: {  	_ =	shalt  }
0x5e: {  	_ =	shalt  }
0x5f: {  	_ =	shalt  }
0x60: {  	_ =	shalt  }
0x61: {  	_ =	shalt  }
0x62: {  	_ =	shalt  }
0x63: {  	_ =	shalt  }
0x64: {  	_ =	shalt  }
0x65: {  	_ =	shalt  }
0x66: {  	_ =	shalt  }
0x67: {  	_ =	shalt  }
0x68: {  	_ =	shalt  }
0x69: {  	_ =	shalt  }
0x6a: {  	_ =	shalt  }
0x6b: {  	_ =	shalt  }
0x6c: {  	_ =	shalt  }
0x6d: {  	_ =	shalt  }
0x6e: {  	_ =	shalt  }
0x6f: {  	_ =	shalt  }
0x70: {  	_ =	shalt  }
0x71: {  	_ =	shalt  }
0x72: {  	_ =	shalt  }
0x73: {  	_ =	shalt  }
0x74: {  	_ =	shalt  }
0x75: {  	_ =	shalt  }
0x76: {  	_ =	shalt  }
0x77: {  	_ =	shalt  }
0x78: {  	_ =	shalt  }
0x79: {  	_ =	shalt  }
0x7a: {  	_ =	shalt  }
0x7b: {  	_ =	shalt  }
0x7c: {  	_ =	shalt  }
0x7d: {  	_ =	shalt  }
0x7e: {  	_ =	shalt  }
0x7f: {  	_ =	shalt  }
0x80: {  	_ =	shalt  }
0x81: {  	_ =	shalt  }
0x82: {  	_ =	shalt  }
0x83: {  	_ =	shalt  }
0x84: {  	_ =	shalt  }
0x85: {  	_ =	shalt  }
0x86: {  	_ =	shalt  }
0x87: {  	_ =	shalt  }
.Lfunc_end0:
.L_simem_size_0:
called_computation_lowered:
.L_overlay_start_0:
0x88: {  	s2 =	sld [smem:$0x3FD9]  }
0x89: {  	s3 =	sld [smem:$0x3FFE];
	_ =	sdelay $0x1  }
0x8a: {  	s1 =	srdreg.scid  }
0x8b: {  	s0 =	sand.u32 $0x1, s1  }
0x8c: {  	s17 =	sshll.u32 s0, $0xA;
	s2 =	sadd.s32 s3, s2  }
0x8d: {  	s2 =	sadd.s32 s2, s17  }
0x8e: {  	[smem:$0x3FC6] =	sst s2  }
0x8f: {  	_ = 	snop  }
0x90: {  	s2 =	sld [smem:$0x3FC8]  }
0x91: {  	s18 =	sld [smem:$0x3FD0];
	(tm) =	ssettm $0x1  }
0x92: {  	s4 =	sld [smem:$0x3FFB];
	_ =	sdelay $0x3  }
0x93: {  	_ =	strace s4  }
0x94: {  	s4 =	sld [smem:$0x3FFC];
	_ =	sdelay $0x3  }
0x95: {  	_ =	strace s4  }
0x96: {  	s4 =	sld [smem:$0x3FFD];
	_ =	sdelay $0x3  }
0x97: {  	_ =	strace s4  }
0x98: {  	_ =	strace $0x8FFFFFFF  }
0x99: {  	s19 =	sld [smem:$0x3FDB];
	_ =	sdelay $0x1  }
0x9a: {  	s5 =	simm.s32 $_scs_section_size  }
0x9b: {  	s6 =	simm.s32 $_size__tile_overlayer_lowered;
	s7 =	simm.s32 $_tile_overlayer_lowered  }
0x9c: {  	s22 =	simm.s32 $0x1BFF;
	s21 =	sshll.u32 s7, $0x1;
	s4 =	sadd.s32 s5, s19  }
0x9d: {  	s8 =	simm.s32 $0x0;
	s20 =	sshll.u32 s6, $0x1;
	s6 =	sadd.s32 s21, s4  }
0x9e: {  	[timem:s8], [sflag:s22] =	dma.local [hbm:s6], s20  }
0x9f: {  	_ =	swait.ge [sflag:s22], s20  }
0xa0: {  	s5 =	ssub.s32 $0x0, s20;
	[sflag:s22] =	ssyncset.done $0x0  }
0xa1: {  	[sflag:s22] =	ssyncadd.s32 s5;
	_ =	sdelay $0x1  }
0xa2: {  	s23 =	simm.s32 $0x1B8B  }
0xa3: {  	_ =	swait.ge [sflag:s23], $0x1  }
0xa4: {  	[sflag:s23] =	ssyncset.done $0x0  }
0xa5: {  	s25 =	simm.s32 $0x1B8E;
	s24 =	sld [smem:$0x3FFE];
	[sflag:s23] =	ssyncadd.s32 $0xFFFFFFFF  }
0xa6: {  	s26 =	simm.s32 $execute0_lowered;
	[smem:$0x3FD2] =	sst s25  }
0xa7: {  	s6 =	sshll.u32 s26, $0x1;
	_ =	strace $0x80000046;
	[dreg:$0x1] =	wrdreg $0xFFFFFFFF  }
0xa8: {  	s28 =	simm.s32 $_size_execute0_lowered;
	s4 =	sadd.s32 s4, s6;
	[dreg:$0x0] =	wrdreg $0x0  }
0xa9: {  	s6 =	sshll.u32 s28, $0x1;
	[dreg:$0x2] =	wrdreg s4  }
0xaa: {  	[dreg:$0x3] =	wrdreg s6  }
0xab: {  	[dreg:$0x4] =	wrdreg $0xC0  }
0xac: {  	_ =	task [dreg:s8], $0x5FFFF  }
0xad: {  	[dreg:$0x1] =	wrdreg $0xFFFFFFFF  }
0xae: {  	[dreg:$0x0] =	wrdreg $0x60  }
0xaf: {  	[dreg:$0x2] =	wrdreg s24  }
0xb0: {  	[dreg:$0x3] =	wrdreg s2  }
0xb1: {  	[dreg:$0x4] =	wrdreg s18  }
0xb2: {  	[dreg:$0x5] =	wrdreg $0x0  }
0xb3: {  	[dreg:$0x6] =	wrdreg $0x9  }
0xb4: {  	_ =	task.clear_ibuf [dreg:s8], $0x7FFFF;
	_ =	strace $0x90000046  }
0xb5: {  	s29 =	simm.s32 $0x9;
	_ =	strace $0x80000048  }
0xb6: {  	_ =	swait.ge [sflag:s29], $0x1  }
0xb7: {  	[sflag:s29] =	ssyncadd.s32 $0xFFFFFFFF  }
0xb8: {  	_ =	strace $0x90000048  }
0xb9: {  	_ =	sfence  }
0xba: {  	s30 =	sld [smem:$0x0];
	_ =	sdelay $0x2  }
0xbb: {  	s31 =	sshll.u32 s1, $0xD;
	s1 =	sshrl.u32 s1, $0x2  }
0xbc: {  	s3 =	sand.u32 $0x4000, s31;
	s1 =	sadd.s32 s1, s30  }
0xbd: {  	s0 =	sor.u32 s3, s0;
	s1 =	sshll.u32 s1, $0x11  }
0xbe: {  	s0 =	sor.u32 s1, s0  }
0xbf: {  	s0 =	sadd.s32 $0x8F2B, s0  }
0xc0: {  	[sflag:s0] =	ssyncadd.remote.s32 $0x1  }
0xc1: {  	_ =	sfence.sel $0xFFFF  }
0xc2: {  	[dreg:$0x0] =	wrdreg $0xFFFFFFFF;
	(pc) =	sbr.abs _section_cstart, $3  }
0xc3: {  	[dreg:$0x1] =	wrdreg $0xFFFFFFFF  }
0xc4: {  	_ =	task.clear_ibuf [dreg:s8], $0x2FFFF;
	_ =	strace $0x9FFFFFFF  }
0xc5: {  	(tm) =	ssettm $0x7FFFFFFF  }
tec
execute0_lowered:
.L_overlay_start_1:
0x0: {  	(tag) =	ssettag $0x1  }
0x1: {  	s0 =	rddreg [dreg:$0x0]  }
0x2: {  	s1 =	rddreg [dreg:$0x1];
	s2 =	srdreg.scid  }
0x3: {  	s10 =	stileid.u32;
	s4 =	rddreg [dreg:$0x3];
	s6 =	simm.s32 $0x0  }
0x4: {  	s15 =	simm.s32 $0x3;
	s16 =	simm.s32 $0x3;
	s19 =	simm.s32 $0xC350  }
0x5: {  	s20 =	simm.s32 $0x10350;
	s21 =	simm.s32 $0x1;
	s22 =	simm.s32 $0x10B50  }
0x6: {  	s23 =	simm.s32 $0x80;
	s14 =	simm.s32 $0x2;
	s17 =	simm.s32 $0x12B50  }
0x7: {  	s11 =	simm.s32 $0x10AD0;
	s13 =	simm.s32 $0x14750;
	s31 =	simm.s32 $0x0  }
0x8: {  	s2 =	sand.u32 $0x1, s2;
	s3 =	smul.u32 $0xC350, s10;
	[smem:$0x7FF] =	sst s6  }
0x9: {  	s6 =	sadd.s32 $0x61A8400, s0;
	s8 =	sshll.u32 s10, $0x1;
	s26 =	sshll.u32 s10, $0x6  }
0xa: {  	p0 =	sgt.u32 s10, $0x4;
	s10 =	simm.s32 $0x14350;
	s5 =	smul.u32 $0xC3500, s2  }
0xb: {  	_ =	strace $0x80000047;
	s7 =	ssub.s32 $0x2, s2;
	s2 =	sor.u32 s2, s8  }
0xc: {  	s24 =	sor.u32 $0x1C05, s26;
	s8 =	simm.s32 $0xC3;
	s15 =	simm.s32 @!p0 $0x4  }
0xd: {  	[dreg:$0xa] =	wrdreg s31;
	s25 =	sshrl.u32 s7, $0x1;
	s9 =	smul.u32 $0xC3, s2  }
0xe: {  	s2 =	smin.u32 s2, $0xA;
	s8 =	simm.s32 @!p0 $0xC4;
	s5 =	sadd.s32 s3, s5  }
0xf: {  	[dreg:$0x5] =	wrdreg s24;
	s3 =	sadd.s32 s3, s4;
	s5 =	sshrl.u32 s5, $0x3  }
0x10: {  	s12 =	sadd.s32 $0xFFFFFFFF, s8;
	s9 =	sadd.s32 s2, s9;
	s0 =	sadd.s32 s5, s0  }
0x11: {  	s5 =	ssub.s32 s7, s25;
	s2 =	sshll.u32 s9, $0xA;
	s28 =	sshll.u32 s9, $0x7  }
.Ltmp0:
0x12: {  	s25 =	sshrl.u32 s3, $0x3;
	s2 =	sadd.s32 s6, s2;
	(pc) =	sbr.rel .LBB2_1-.Ltmp0, $4  }
0x13: {  	s7 =	simm.s32 $0xE350;
	s29 =	sadd.s32 s1, s28;
	[dreg:$0x6] =	wrdreg s2  }
0x14: {  	v1 =	vlaneseq.u32;
	s3 =	simm.s32 $0x13F50;
	s0 =	sadd.s32 $0x400, s0;
	[dreg:$0x7] =	wrdreg s29  }
0x15: {  	v0 =	vshrl.u32 v1, $0x3;
	s30 =	smax.u32 s5, $0x1;
	s5 =	simm.s32 $0x10A50;
	[dreg:$0x8] =	wrdreg s0  }
0x16: {  	v1 =	vand.u32 $0x7, v1;
	v0 =	vmul.u32 $0x8, v0;
	[dreg:$0x9] =	wrdreg s30;
	s0 =	simm.s32 $0x109D0;
	s2 =	smov.u32 s25  }
.LBB2_11:
0x17: {  	_ =	swait.ge [sflag:s15], $0x400  }
0x18: {  	[sflag:s15] =	ssyncset.done $0x0  }
0x19: {  	[sflag:s15] =	ssyncadd.s32 $0xFFFFFC00  }
0x1a: {  	_ =	swait.ge [sflag:s15], $0x400  }
0x1b: {  	[sflag:s15] =	ssyncset.done $0x0  }
0x1c: {  	[sflag:s15] =	ssyncadd.s32 $0xFFFFFC00  }
0x1d: {  	_ =	swait.ge [sflag:s15], $0x400  }
0x1e: {  	[sflag:s15] =	ssyncset.done $0x0  }
0x1f: {  	[sflag:s15] =	ssyncadd.s32 $0xFFFFFC00  }
0x20: {  	_ =	swait.ge [sflag:s15], $0x400  }
0x21: {  	[sflag:s15] =	ssyncset.done $0x0  }
0x22: {  	[sflag:s15] =	ssyncadd.s32 $0xFFFFFC00  }
0x23: {  	_ =	swait.ge [sflag:s15], $0x400  }
0x24: {  	[sflag:s15] =	ssyncset.done $0x0  }
0x25: {  	[sflag:s15] =	ssyncadd.s32 $0xFFFFFC00  }
0x26: {  	_ =	swait.ge [sflag:s15], $0x400  }
0x27: {  	[sflag:s15] =	ssyncset.done $0x0  }
0x28: {  	[sflag:s15] =	ssyncadd.s32 $0xFFFFFC00  }
0x29: {  	_ =	swait.ge [sflag:s15], $0x400  }
0x2a: {  	[sflag:s15] =	ssyncset.done $0x0  }
0x2b: {  	[sflag:s15] =	ssyncadd.s32 $0xFFFFFC00  }
0x2c: {  	_ =	swait.ge [sflag:s15], $0x400  }
0x2d: {  	[sflag:s15] =	ssyncset.done $0x0  }
0x2e: {  	[sflag:s15] =	ssyncadd.s32 $0xFFFFFC00  }
0x2f: {  	[bflag:$0x0] =	sbarrier.arrive $0xFFFF  }
0x30: {  	s24 =	rddreg [dreg:$0x5]  }
0x31: {  	s29 =	simm.s32 $0x5;
	s18 =	rddreg [dreg:$0x8]  }
0x32: {  	[hbm:s18], [sflag:s24] =	dma.local [spmem:s25], $0x186A  }
0x33: {  	_ =	swait.ge [sflag:s29], $0x186A  }
0x34: {  	s26 =	rddreg [dreg:$0xa]  }
0x35: {  	s30 =	rddreg [dreg:$0x9];
	s26 =	sadd.s32 $0x1, s26  }
0x36: {  	p0 =	sne.s32 s26, s30  }
.Ltmp1:
0x37: {  	_ = 	snop;
	(pc) =	sbr.rel @!p0 .LBB2_12-.Ltmp1, $3  }
0x38: {  	_ =	sdelay $0x1  }
0x39: {  	s31 =	simm.s32 $0x5;
	[sflag:s29] =	ssyncset.done $0x0  }
0x3a: {  	[sflag:s31] =	ssyncadd.s32 $0xFFFFE796;
	[dreg:$0xa] =	wrdreg s26  }
.LBB2_1:
0x3b: {  	s26 =	simm.s32 $0x5;
	s18 =	rddreg [dreg:$0x2]  }
0x3c: {  	[spmem:s25], [sflag:s24] =	dma.local [hbm:s18], $0x186A  }
0x3d: {  	_ =	swait.ge [sflag:s26], $0x186A  }
0x3e: {  	[sflag:s26] =	ssyncset.done $0x0  }
0x3f: {  	[sflag:s26] =	ssyncadd.s32 $0xFFFFE796  }
.Ltmp2:
0x40: {  	[bflag:$0x0] =	sbarrier.arrive $0xFFFF;
	(pc) =	sbr.rel .LBB2_2-.Ltmp2, $4  }
0x41: {  	s29 =	simm.s32 $0x0;
	s30 =	rddreg [dreg:$0x6]  }
0x42: {  	[tilespmem:s19], [sflag:$0x1] =	stream.linear.gather [hbm4b:s30+s29], $0x2000, $0x38;
	[tilespmem:$0x14B50] =	vst v63  }
0x43: {  	s18 =	simm.s32 $0x0;
	s31 =	rddreg [dreg:$0x7]  }
0x44: {  	[tilespmem:s20], [sflag:$0x1] =	stream.linear.gather [hbm4b:s31+s29], $0x400, $0x38;
	[tilespmem:$0x14B50] =	vst v63  }
.LBB2_10:
0x45: {  	s18 =	sadd.s32 $0x1, s18  }
0x46: {  	p0 =	sne.s32 s18, $0x62  }
.Ltmp3:
0x47: {  	_ = 	snop;
	(pc) =	sbr.rel @!p0 .LBB2_11-.Ltmp3, $1  }
0x48: {  	_ =	sdelay $0x3  }
.LBB2_2:
0x49: {  	s24 =	sshll.u32 s18, $0x1  }
0x4a: {  	p0 =	sge.u32 s24, s8  }
.Ltmp4:
0x4b: {  	_ = 	snop;
	(pc) =	sbr.rel @p0 .LBB2_6-.Ltmp4, $1  }
0x4c: {  	_ =	sdelay $0x3  }
0x4d: {  	s25 =	simm.s32 $0x8  }
0x4e: {  	s26 =	simm.s32 $0x2;
	v2 =	vmov s25  }
0x4f: {  	s31 =	simm.s32 $0x6;
	v4 =	vmov s26;
	v2 =	vshll.u32 v2, $0x3  }
0x50: {  	_ =	swait.ge [sflag:s21], $0x2000;
	v3 =	vmov s31;
	v4 =	vshll.u32 v4, $0x3;
	v2 =	vor.u32 v0, v2  }
0x51: {  	[sflag:s21] =	ssyncset.done $0x0;
	v3 =	vshll.u32 v3, $0x3;
	v4 =	vor.u32 v0, v4;
	v14 =	vor.u32 v1, v2  }
0x52: {  	[sflag:s21] =	ssyncadd.s32 $0xFFFFE000;
	v2 =	vor.u32 v0, v3;
	v6 =	vor.u32 v1, v4  }
0x53: {  	s28 =	simm.s32 $0xA;
	s30 =	simm.s32 $0x4;
	_ =	swait.ge [sflag:s21], $0x400;
	v2 =	vor.u32 v1, v2  }
0x54: {  	s29 =	simm.s32 $0x0;
	s26 =	simm.s32 $0xC;
	v5 =	vmov s28;
	v7 =	vmov s30;
	[sflag:s21] =	ssyncset.done $0x0  }
0x55: {  	v5 =	vshll.u32 v5, $0x3;
	v3 =	vmov s26;
	v4 =	vmov s29;
	[sflag:s21] =	ssyncadd.s32 $0xFFFFFC00  }
0x56: {  	v5 =	vor.u32 v0, v5;
	v3 =	vshll.u32 v3, $0x3;
	v4 =	vshll.u32 v4, $0x3;
	v16 =	vld.idx.msk [tilespmem:v14+s19+$0x0], $0xffff  }
0x57: {  	v8 =	vor.u32 v0, v4;
	v4 =	vor.u32 v1, v5;
	v5 =	vshll.u32 v7, $0x3;
	v7 =	vld.idx.msk [tilespmem:v6+s19+$0x0], $0xffff  }
0x58: {  	v3 =	vor.u32 v0, v3;
	v11 =	vld.idx.msk [tilespmem:v2+s19+$0x0], $0xffff  }
0x59: {  	v3 =	vor.u32 v1, v3  }
0x5a: {  	v17 =	vor.u32 v1, v8;
	v5 =	vor.u32 v0, v5  }
0x5b: {  	v5 =	vor.u32 v1, v5;
	v10 =	vshra.s32 v16, $0x17;
	v12 =	vand.u32 $0x7FFFFF, v16  }
0x5c: {  	s31 =	simm.s32 $0xE;
	v8 =	vld.idx.msk [tilespmem:v4+s19+$0x0], $0xffff;
	v22 =	vshra.s32 v7, $0x17;
	v25 =	vand.u32 $0x7FFFFF, v7;
	v10 =	vsub.s32 $0x7F, v10  }
0x5d: {  	v13 =	vor.u32 $0x3F800000, v12;
	v12 =	vmov s31;
	v15 =	vand.u32 $0x7FFFFF, v11  }
0x5e: {  	v9 =	vld.idx.msk [tilespmem:v3+s19+$0x0], $0xffff;
	v21 =	vshra.s32 v11, $0x17;
	v22 =	vsub.s32 $0x7F, v22;
	v19 =	vadd.f32 $1.000000000e+00, v13  }
0x5f: {  	v25 =	vor.u32 $0x3F800000, v25;
	v18 =	vcvt.s32.f32 v10;
	v15 =	vor.u32 $0x3F800000, v15  }
0x60: {  	v10 =	vld.idx.msk [tilespmem:v5+s19+$0x0], $0xffff;
	v21 =	vsub.s32 $0x7F, v21;
	(erf) = vrcp.f32 v19;
	v19 =	vadd.f32 $1.000000000e+00, v15  }
0x61: {  	v20 =	vld.idx.msk [tilespmem:v17+s19+$0x0], $0xffff;
	v12 =	vshll.u32 v12, $0x3;
	v24 =	vshra.s32 v8, $0x17;
	v26 =	vand.u32 $0x7FFFFF, v8  }
0x62: {  	v28 =	vadd.f32 $1.000000000e+00, v25;
	v13 =	vsub.f32 $1.000000000e+00, v13;
	(erf) = vrcp.f32 v19  }
0x63: {  	v22 =	vcvt.s32.f32 v22;
	v21 =	vcvt.s32.f32 v21;
	v23 =	vand.u32 $0x7FFFFF, v9  }
0x64: {  	v12 =	vor.u32 v0, v12;
	v26 =	vor.u32 $0x3F800000, v26;
	v35 =	vshra.s32 v9, $0x17  }
0x65: {  	v24 =	vsub.s32 $0x7F, v24;
	v23 =	vor.u32 $0x3F800000, v23;
	v27 =	vand.u32 $0x7FFFFF, v10  }
0x66: {  	v12 =	vor.u32 v1, v12;
	v19 =	vand.u32 $0x7FFFFF, v20;
	v27 =	vor.u32 $0x3F800000, v27  }
0x67: {  	v15 =	vsub.f32 $1.000000000e+00, v15;
	v19 =	vor.u32 $0x3F800000, v19;
	v31 =	vadd.f32 $1.000000000e+00, v27  }
0x68: {  	v45 =	vadd.f32 $1.000000000e+00, v26;
	v38 =	vmul.f32 $6.931471820e-01, v18;
	v30 =	vadd.f32 $1.000000000e+00, v19  }
0x69: {  	v24 =	vcvt.s32.f32 v24;
	v29 =	vadd.f32 $1.000000000e+00, v23;
	(erf) = vrcp.f32 v28  }
0x6a: {  	v37 =	vmul.f32 $6.931471820e-01, v21;
	v21 =	vsub.f32 $1.000000000e+00, v23;
	v33 =	vpop (erf);
	(erf) = vrcp.f32 v30  }
0x6b: {  	v28 =	vshra.s32 v20, $0x17;
	v32 =	vshra.s32 v10, $0x17;
	(erf) = vrcp.f32 v31;
	v31 =	vpop (erf)  }
0x6c: {  	v28 =	vsub.s32 $0x7F, v28;
	v30 =	vmul.f32 v33, v13;
	v13 =	vld.idx.msk [tilespmem:v12+s19+$0x0], $0xffff;
	v31 =	vmul.f32 v31, v15  }
0x6d: {  	v32 =	vsub.s32 $0x7F, v32;
	v28 =	vcvt.s32.f32 v28;
	(erf) = vrcp.f32 v29  }
0x6e: {  	v19 =	vsub.f32 $1.000000000e+00, v19;
	v32 =	vcvt.s32.f32 v32;
	v36 =	vmul.f32 v31, v31  }
0x6f: {  	v27 =	vsub.f32 $1.000000000e+00, v27;
	v28 =	vmul.f32 $6.931471820e-01, v28;
	v34 =	vmul.f32 v30, v30  }
0x70: {  	v15 =	vmul.f32 $6.931471820e-01, v22;
	v30 =	vadd.f32 v30, v30;
	v23 =	vmul.f32 $1.428571490e-01, v36  }
0x71: {  	v22 =	vsub.f32 $1.000000000e+00, v25;
	v31 =	vadd.f32 v31, v31;
	v18 =	vand.u32 $0x7FFFFF, v13  }
0x72: {  	v39 =	vpop (erf);
	v25 =	vmul.f32 v34, v30;
	v18 =	vor.u32 $0x3F800000, v18;
	v23 =	vadd.f32 $2.000000030e-01, v23  }
0x73: {  	v29 =	vmul.f32 v39, v22;
	v49 =	vmul.f32 v36, v31;
	v22 =	vadd.f32 $1.000000000e+00, v18;
	v46 =	vpop (erf)  }
0x74: {  	v26 =	vsub.f32 $1.000000000e+00, v26;
	v19 =	vmul.f32 v46, v19;
	v47 =	vpop (erf);
	v23 =	vmul.f32 v23, v36  }
0x75: {  	v44 =	vshra.s32 v13, $0x17;
	(erf) = vrcp.f32 v22;
	v27 =	vmul.f32 v47, v27  }
0x76: {  	(erf) = vrcp.f32 v45;
	v42 =	vpop (erf);
	v48 =	vmul.f32 v19, v19;
	v23 =	vadd.f32 $3.333333430e-01, v23  }
0x77: {  	v40 =	vsub.f32 $1.000000000e+00, v18;
	v42 =	vmul.f32 v42, v21;
	v50 =	vmul.f32 v27, v27  }
0x78: {  	v51 =	vadd.f32 v19, v19;
	v18 =	vmul.f32 $1.428571490e-01, v48;
	v19 =	vmul.f32 v23, v49  }
0x79: {  	v52 =	vadd.f32 v29, v29;
	v23 =	vmul.f32 v29, v29;
	v29 =	vmul.f32 $1.428571490e-01, v34  }
0x7a: {  	v53 =	vmul.f32 v42, v42;
	v39 =	vmul.f32 v48, v51;
	v18 =	vadd.f32 $2.000000030e-01, v18  }
0x7b: {  	v19 =	vadd.f32 v19, v31;
	v31 =	vmul.f32 $1.428571490e-01, v23;
	v29 =	vadd.f32 $2.000000030e-01, v29  }
0x7c: {  	v21 =	vadd.f32 v27, v27;
	v41 =	vmul.f32 $1.428571490e-01, v50;
	v43 =	vmul.f32 v18, v48  }
0x7d: {  	v55 =	vmul.f32 $1.428571490e-01, v53;
	v27 =	vadd.f32 $2.000000030e-01, v31;
	v29 =	vmul.f32 v29, v34  }
0x7e: {  	v45 =	vmul.f32 v23, v52;
	v18 =	vadd.f32 v19, v37;
	v54 =	vadd.f32 $3.333333430e-01, v43  }
0x7f: {  	v19 =	vpop (erf);
	v23 =	vmul.f32 v27, v23;
	v57 =	vadd.f32 $3.333333430e-01, v29;
	v29 =	vmul.f32 v50, v21  }
0x80: {  	v27 =	vsub.s32 $0x7F, v44;
	v31 =	vmul.f32 v19, v40;
	v19 =	vmul.f32 $6.931471820e-01, v24  }
0x81: {  	v60 =	vadd.f32 $2.000000030e-01, v41;
	v56 =	vpop (erf);
	v39 =	vmul.f32 v54, v39;
	v27 =	vcvt.s32.f32 v27  }
0x82: {  	v26 =	vmul.f32 v56, v26;
	v58 =	vadd.f32 $3.333333430e-01, v23;
	v59 =	vmul.f32 v57, v25  }
0x83: {  	v24 =	vadd.f32 v31, v31;
	v31 =	vmul.f32 v31, v31;
	v33 =	vadd.f32 v39, v51  }
0x84: {  	v25 =	vmul.f32 $6.931471820e-01, v27;
	v23 =	vadd.f32 v26, v26;
	v26 =	vmul.f32 v26, v26  }
0x85: {  	v27 =	vadd.f32 v59, v30;
	v28 =	vadd.f32 v33, v28;
	v30 =	vmul.f32 $1.428571490e-01, v31  }
0x86: {  	v22 =	vsub.s32 $0x7F, v35;
	v34 =	vmul.f32 v58, v45;
	v33 =	vmul.f32 v60, v50  }
0x87: {  	v38 =	vadd.f32 v27, v38;
	v61 =	vmul.f32 v28, v20;
	v30 =	vadd.f32 $2.000000030e-01, v30  }
0x88: {  	v62 =	vadd.f32 $2.000000030e-01, v55;
	v28 =	vmul.f32 v31, v24;
	v20 =	vmul.f32 $6.931471820e-01, v32  }
0x89: {  	v27 =	vadd.f32 v42, v42;
	v16 =	vmul.f32 v38, v16;
	v63 =	vmul.f32 v30, v31  }
0x8a: {  	v32 =	vadd.f32 $3.333333430e-01, v33;
	[tilespmem:v17+s22+$0x0] =	vst.idx.msk $0xffff, v61;
	v30 =	vadd.f32 v34, v52;
	v17 =	vmul.f32 $1.428571490e-01, v26  }
0x8b: {  	s25 =	simm.s32 $0x0;
	s26 =	simm.s32 $0x1E;
	v31 =	vmul.f32 v62, v53;
	[tilespmem:v14+s22+$0x0] =	vst.idx.msk $0xffff, v16;
	v14 =	vmul.f32 v53, v27;
	v16 =	vadd.f32 $3.333333430e-01, v63  }
.LBB2_4:
0x8c: {  	s28 =	sadd.s32 $0xFFFFFFF2, s26;
	s29 =	sadd.s32 $0xFFFFFFF4, s26;
	s30 =	sadd.s32 $0xFFFFFFF6, s26;
	v15 =	vadd.f32 v30, v15;
	v29 =	vmul.f32 v32, v29;
	v22 =	vcvt.s32.f32 v22  }
0x8d: {  	s31 =	sadd.s32 $0xFFFFFFFC, s26;
	v30 =	vmov s28;
	v32 =	vmov s29;
	s28 =	sadd.s32 $0xFFFFFFF8, s26;
	s29 =	sadd.s32 $0xFFFFFFFA, s26;
	v31 =	vadd.f32 $3.333333430e-01, v31  }
0x8e: {  	s25 =	sadd.s32 $0x8, s25;
	v17 =	vadd.f32 $2.000000030e-01, v17;
	v33 =	vmov s28;
	v34 =	vmov s29;
	s28 =	sadd.s32 $0xFFFFFFFE, s26  }
0x8f: {  	v36 =	vmul.f32 v26, v23;
	p0 =	slt.u32 s25, $0x1F8;
	v30 =	vshll.u32 v30, $0x3;
	v35 =	vmov s28  }
0x90: {  	v37 =	vmov s30;
	v33 =	vshll.u32 v33, $0x3;
	v31 =	vmul.f32 v31, v14  }
0x91: {  	v32 =	vshll.u32 v32, $0x3;
	v22 =	vmul.f32 $6.931471820e-01, v22;
	v14 =	vshll.u32 v34, $0x3  }
0x92: {  	v16 =	vmul.f32 v16, v28;
	v34 =	vmov s31;
	v14 =	vor.u32 v0, v14  }
0x93: {  	v17 =	vmul.f32 v17, v26;
	v28 =	vor.u32 v0, v33;
	v14 =	vor.u32 v1, v14  }
0x94: {  	v24 =	vadd.f32 v16, v24;
	v26 =	vor.u32 v1, v28;
	v28 =	vshll.u32 v35, $0x3  }
0x95: {  	v30 =	vor.u32 v0, v30;
	v16 =	vor.u32 v0, v32;
	v27 =	vadd.f32 v31, v27  }
0x96: {  	v21 =	vadd.f32 v29, v21;
	v31 =	vor.u32 v1, v16;
	v16 =	vshll.u32 v34, $0x3  }
0x97: {  	v32 =	vadd.f32 $3.333333430e-01, v17;
	v29 =	vor.u32 v0, v16;
	v28 =	vor.u32 v0, v28  }
0x98: {  	v33 =	vshll.u32 v37, $0x3;
	v29 =	vor.u32 v1, v29;
	v28 =	vor.u32 v1, v28;
	v16 =	vld.idx.msk [tilespmem:v14+s19+$0x0], $0xffff  }
0x99: {  	v17 =	vor.u32 v1, v30;
	v30 =	vor.u32 v0, v33;
	v32 =	vmul.f32 v32, v36  }
0x9a: {  	v24 =	vadd.f32 v24, v25;
	v30 =	vor.u32 v1, v30;
	v22 =	vadd.f32 v27, v22;
	v33 =	vld.idx.msk [tilespmem:v26+s19+$0x0], $0xffff  }
0x9b: {  	v15 =	vmul.f32 v15, v7;
	v20 =	vadd.f32 v21, v20;
	v21 =	vadd.f32 v32, v23  }
0x9c: {  	v11 =	vmul.f32 v18, v11;
	v13 =	vmul.f32 v24, v13;
	v7 =	vld.idx.msk [tilespmem:v31+s19+$0x0], $0xffff  }
0x9d: {  	v23 =	vmul.f32 v20, v10;
	v18 =	vld.idx.msk [tilespmem:v28+s19+$0x0], $0xffff;
	[tilespmem:v6+s22+$0x0] =	vst.idx.msk $0xffff, v15;
	v15 =	vadd.f32 v21, v19  }
0x9e: {  	v9 =	vmul.f32 v22, v9;
	v10 =	vshra.s32 v16, $0x17;
	v19 =	vand.u32 $0x7FFFFF, v16;
	v21 =	vld.idx.msk [tilespmem:v29+s19+$0x0], $0xffff;
	[tilespmem:v12+s22+$0x0] =	vst.idx.msk $0xffff, v13  }
0x9f: {  	v6 =	vmovc v31;
	v12 =	vsub.s32 $0x7F, v10;
	v13 =	vor.u32 $0x3F800000, v19;
	v19 =	vmov s26;
	v20 =	vld.idx.msk [tilespmem:v17+s19+$0x0], $0xffff;
	[tilespmem:v5+s22+$0x0] =	vst.idx.msk $0xffff, v23;
	v5 =	vmovc v30  }
0xa0: {  	v22 =	vand.u32 $0x7FFFFF, v33;
	v23 =	vcvt.s32.f32 v12;
	v12 =	vadd.f32 $1.000000000e+00, v13;
	v10 =	vld.idx.msk [tilespmem:v30+s19+$0x0], $0xffff;
	[tilespmem:v2+s22+$0x0] =	vst.idx.msk $0xffff, v11;
	v2 =	vmovc v26  }
0xa1: {  	v24 =	vshra.s32 v33, $0x17;
	v27 =	vmul.f32 v15, v8;
	v22 =	vor.u32 $0x3F800000, v22;
	[tilespmem:v3+s22+$0x0] =	vst.idx.msk $0xffff, v9;
	v3 =	vmovc v28  }
0xa2: {  	v26 =	vsub.s32 $0x7F, v24;
	v11 =	vmovc v33;
	v15 =	vshra.s32 v7, $0x17;
	(erf) = vrcp.f32 v12  }
0xa3: {  	v24 =	vcvt.s32.f32 v26;
	v12 =	vadd.f32 $1.000000000e+00, v22;
	v25 =	vand.u32 $0x7FFFFF, v18;
	v9 =	vmovc v18;
	[tilespmem:v4+s22+$0x0] =	vst.idx.msk $0xffff, v27;
	v4 =	vmovc v29  }
0xa4: {  	v19 =	vshll.u32 v19, $0x3;
	v15 =	vsub.s32 $0x7F, v15;
	v18 =	vor.u32 $0x3F800000, v25;
	v8 =	vmovc v21  }
0xa5: {  	v21 =	vand.u32 $0x7FFFFF, v20;
	v25 =	vshra.s32 v8, $0x17;
	(erf) = vrcp.f32 v12  }
0xa6: {  	v19 =	vor.u32 v0, v19;
	v26 =	vand.u32 $0x7FFFFF, v8;
	v12 =	vand.u32 $0x7FFFFF, v7  }
0xa7: {  	v21 =	vor.u32 $0x3F800000, v21;
	v27 =	vor.u32 $0x3F800000, v12;
	v12 =	vor.u32 v1, v19  }
0xa8: {  	v29 =	vadd.f32 $1.000000000e+00, v18;
	v28 =	vand.u32 $0x7FFFFF, v10;
	v19 =	vadd.f32 $1.000000000e+00, v27  }
0xa9: {  	v26 =	vor.u32 $0x3F800000, v26;
	v30 =	vadd.f32 $1.000000000e+00, v21;
	v28 =	vor.u32 $0x3F800000, v28  }
0xaa: {  	v13 =	vsub.f32 $1.000000000e+00, v13;
	v31 =	vadd.f32 $1.000000000e+00, v28;
	(erf) = vrcp.f32 v19  }
0xab: {  	v32 =	vshra.s32 v10, $0x17;
	v33 =	vadd.f32 $1.000000000e+00, v26;
	v19 =	vshra.s32 v20, $0x17;
	v34 =	vpop (erf)  }
0xac: {  	v19 =	vsub.s32 $0x7F, v19;
	v34 =	vmul.f32 v34, v13;
	v13 =	vld.idx.msk [tilespmem:v12+s19+$0x0], $0xffff;
	(erf) = vrcp.f32 v30  }
0xad: {  	v22 =	vsub.f32 $1.000000000e+00, v22;
	v19 =	vcvt.s32.f32 v19;
	(erf) = vrcp.f32 v31  }
0xae: {  	v15 =	vcvt.s32.f32 v15;
	v30 =	vsub.s32 $0x7F, v32;
	v31 =	vmul.f32 v34, v34;
	v32 =	vpop (erf)  }
0xaf: {  	v30 =	vcvt.s32.f32 v30;
	v22 =	vmul.f32 v32, v22;
	v32 =	vshra.s32 v9, $0x17  }
0xb0: {  	v24 =	vmul.f32 $6.931471820e-01, v24;
	v15 =	vmul.f32 $6.931471820e-01, v15;
	v21 =	vsub.f32 $1.000000000e+00, v21  }
0xb1: {  	v18 =	vsub.f32 $1.000000000e+00, v18;
	v34 =	vadd.f32 v34, v34;
	v35 =	vmul.f32 v22, v22  }
0xb2: {  	v36 =	vmul.f32 $6.931471820e-01, v23;
	v27 =	vsub.f32 $1.000000000e+00, v27;
	v23 =	vand.u32 $0x7FFFFF, v13  }
0xb3: {  	v38 =	vmul.f32 v31, v34;
	v23 =	vor.u32 $0x3F800000, v23;
	v37 =	vmul.f32 $1.428571490e-01, v35;
	v39 =	vpop (erf)  }
0xb4: {  	v27 =	vmul.f32 v39, v27;
	v39 =	vadd.f32 $1.000000000e+00, v23;
	(erf) = vrcp.f32 v29  }
0xb5: {  	v40 =	vmul.f32 $6.931471820e-01, v19;
	v19 =	vsub.f32 $1.000000000e+00, v28;
	v28 =	vadd.f32 $2.000000030e-01, v37;
	v29 =	vpop (erf)  }
0xb6: {  	v25 =	vsub.s32 $0x7F, v25;
	v21 =	vmul.f32 v29, v21;
	v29 =	vpop (erf);
	(erf) = vrcp.f32 v39  }
0xb7: {  	v19 =	vmul.f32 v29, v19;
	v28 =	vmul.f32 v28, v35;
	v29 =	vadd.f32 v22, v22  }
0xb8: {  	v25 =	vcvt.s32.f32 v25;
	v22 =	vsub.s32 $0x7F, v32;
	v37 =	vmul.f32 v21, v21  }
0xb9: {  	v28 =	vadd.f32 $3.333333430e-01, v28;
	v32 =	vmul.f32 v35, v29  }
0xba: {  	v23 =	vsub.f32 $1.000000000e+00, v23;
	v35 =	vmul.f32 v19, v19;
	(erf) = vrcp.f32 v33  }
0xbb: {  	v39 =	vadd.f32 v21, v21;
	v33 =	vmul.f32 $1.428571490e-01, v37;
	v42 =	vmul.f32 v28, v32  }
0xbc: {  	v28 =	vmul.f32 v27, v27;
	v32 =	vadd.f32 v27, v27;
	v27 =	vmul.f32 $1.428571490e-01, v35  }
0xbd: {  	v41 =	vmul.f32 $1.428571490e-01, v31;
	v33 =	vadd.f32 $2.000000030e-01, v33;
	v29 =	vadd.f32 v42, v29;
	v21 =	vpop (erf)  }
0xbe: {  	v26 =	vsub.f32 $1.000000000e+00, v26;
	v42 =	vmul.f32 $1.428571490e-01, v28;
	v43 =	vmul.f32 v21, v18  }
0xbf: {  	v33 =	vmul.f32 v33, v37;
	v21 =	vadd.f32 v19, v19;
	v18 =	vadd.f32 v29, v24;
	v19 =	vpop (erf)  }
0xc0: {  	v29 =	vadd.f32 $2.000000030e-01, v42;
	v42 =	vmul.f32 v43, v43;
	v23 =	vmul.f32 v19, v23  }
0xc1: {  	v37 =	vmul.f32 v37, v39;
	v24 =	vadd.f32 $2.000000030e-01, v41;
	v19 =	vmul.f32 $6.931471820e-01, v25  }
0xc2: {  	v41 =	vshra.s32 v13, $0x17;
	v25 =	vadd.f32 $3.333333430e-01, v33;
	v33 =	vmul.f32 $1.428571490e-01, v42  }
0xc3: {  	v44 =	vmul.f32 v28, v32;
	v31 =	vmul.f32 v24, v31;
	v24 =	vadd.f32 v23, v23;
	v45 =	vpop (erf)  }
0xc4: {  	v28 =	vmul.f32 v29, v28;
	v29 =	vsub.s32 $0x7F, v41;
	v25 =	vmul.f32 v25, v37  }
0xc5: {  	v37 =	vmul.f32 v23, v23;
	v31 =	vadd.f32 $3.333333430e-01, v31;
	v26 =	vmul.f32 v45, v26  }
0xc6: {  	v25 =	vadd.f32 v25, v39;
	v39 =	vadd.f32 $3.333333430e-01, v28;
	v28 =	vcvt.s32.f32 v29  }
0xc7: {  	v29 =	vmul.f32 v35, v21;
	v31 =	vmul.f32 v31, v38;
	v23 =	vadd.f32 v26, v26  }
0xc8: {  	v38 =	vadd.f32 v25, v40;
	v26 =	vmul.f32 v26, v26;
	v25 =	vmul.f32 $6.931471820e-01, v28  }
0xc9: {  	v27 =	vadd.f32 $2.000000030e-01, v27;
	v31 =	vadd.f32 v31, v34;
	v34 =	vmul.f32 $1.428571490e-01, v37  }
0xca: {  	v33 =	vadd.f32 $2.000000030e-01, v33;
	v28 =	vmul.f32 v37, v24;
	v20 =	vmul.f32 v38, v20  }
.Ltmp5:
0xcb: {  	v38 =	vmul.f32 v39, v44;
	v31 =	vadd.f32 v31, v36;
	v34 =	vadd.f32 $2.000000030e-01, v34;
	(pc) =	sbr.rel @p0 .LBB2_4-.Ltmp5, $4  }
0xcc: {  	[tilespmem:v17+s22+$0x0] =	vst.idx.msk $0xffff, v20;
	v17 =	vmul.f32 v27, v35;
	v20 =	vmul.f32 $6.931471820e-01, v30;
	v27 =	vadd.f32 v43, v43  }
0xcd: {  	v16 =	vmul.f32 v31, v16;
	v34 =	vmul.f32 v34, v37  }
0xce: {  	v30 =	vadd.f32 v38, v32;
	v32 =	vadd.f32 $3.333333430e-01, v17;
	v17 =	vmul.f32 $1.428571490e-01, v26  }
0xcf: {  	s26 =	sadd.s32 $0x10, s26;
	v31 =	vmul.f32 v33, v42;
	[tilespmem:v14+s22+$0x0] =	vst.idx.msk $0xffff, v16;
	v14 =	vmul.f32 v42, v27;
	v16 =	vadd.f32 $3.333333430e-01, v34  }
0xd0: {  	v17 =	vadd.f32 $2.000000030e-01, v17;
	_ =	sdelay $0x1  }
0xd1: {  	v17 =	vmul.f32 v17, v26  }
0xd2: {  	v57 =	vmul.f32 v32, v29;
	v22 =	vcvt.s32.f32 v22;
	v58 =	vadd.f32 $3.333333430e-01, v31  }
0xd3: {  	v59 =	vmul.f32 v26, v23;
	v16 =	vmul.f32 v16, v28;
	v17 =	vadd.f32 $3.333333430e-01, v17  }
0xd4: {  	v15 =	vadd.f32 v30, v15;
	v21 =	vadd.f32 v57, v21;
	v14 =	vmul.f32 v58, v14  }
0xd5: {  	v62 =	vmul.f32 v18, v11;
	v16 =	vadd.f32 v16, v24;
	v17 =	vmul.f32 v17, v59  }
0xd6: {  	v22 =	vmul.f32 $6.931471820e-01, v22;
	v60 =	vadd.f32 v21, v20;
	v14 =	vadd.f32 v14, v27  }
0xd7: {  	v7 =	vmul.f32 v15, v7;
	v16 =	vadd.f32 v16, v25;
	v17 =	vadd.f32 v17, v23  }
0xd8: {  	[tilespmem:v2+s22+$0x0] =	vst.idx.msk $0xffff, v62;
	v61 =	vmul.f32 v60, v10;
	v14 =	vadd.f32 v14, v22  }
0xd9: {  	[tilespmem:v6+s22+$0x0] =	vst.idx.msk $0xffff, v7;
	v13 =	vmul.f32 v16, v13;
	v63 =	vadd.f32 v17, v19  }
0xda: {  	[tilespmem:v5+s22+$0x0] =	vst.idx.msk $0xffff, v61;
	v9 =	vmul.f32 v14, v9  }
0xdb: {  	[tilespmem:v12+s22+$0x0] =	vst.idx.msk $0xffff, v13;
	v2 =	vmul.f32 v63, v8  }
0xdc: {  	p0 =	seq.s32 s18, $0x0;
	[tilespmem:v3+s22+$0x0] =	vst.idx.msk $0xffff, v9  }
0xdd: {  	s25 =	simm.s32 @!p0 $0x4;
	[tilespmem:v4+s22+$0x0] =	vst.idx.msk $0xffff, v2  }
0xde: {  	_ =	swait.ge @!p0 [sflag:s25], $0x400  }
0xdf: {  	[sflag:s25] =	ssyncset.done @!p0 $0x0  }
0xe0: {  	[sflag:s25] =	ssyncadd.s32 @!p0 $0xFFFFFC00  }
0xe1: {  	_ =	swait.ge @!p0 [sflag:s25], $0x400  }
0xe2: {  	[sflag:s25] =	ssyncset.done @!p0 $0x0  }
0xe3: {  	[sflag:s25] =	ssyncadd.s32 @!p0 $0xFFFFFC00  }
0xe4: {  	_ =	swait.ge @!p0 [sflag:s25], $0x400  }
0xe5: {  	[sflag:s25] =	ssyncset.done @!p0 $0x0  }
0xe6: {  	[sflag:s25] =	ssyncadd.s32 @!p0 $0xFFFFFC00  }
0xe7: {  	_ =	swait.ge @!p0 [sflag:s25], $0x400  }
0xe8: {  	[sflag:s25] =	ssyncset.done @!p0 $0x0  }
0xe9: {  	[sflag:s25] =	ssyncadd.s32 @!p0 $0xFFFFFC00  }
0xea: {  	_ =	swait.ge @!p0 [sflag:s25], $0x400  }
0xeb: {  	[sflag:s25] =	ssyncset.done @!p0 $0x0  }
0xec: {  	[sflag:s25] =	ssyncadd.s32 @!p0 $0xFFFFFC00  }
0xed: {  	_ =	swait.ge @!p0 [sflag:s25], $0x400  }
0xee: {  	[sflag:s25] =	ssyncset.done @!p0 $0x0  }
0xef: {  	[sflag:s25] =	ssyncadd.s32 @!p0 $0xFFFFFC00  }
0xf0: {  	_ =	swait.ge @!p0 [sflag:s25], $0x400  }
0xf1: {  	s26 =	sor.u32 $0x1, s24;
	[sflag:s25] =	ssyncset.done @!p0 $0x0  }
0xf2: {  	p1 =	sge.u32 s26, s8;
	[sflag:s25] =	ssyncadd.s32 @!p0 $0xFFFFFC00  }
0xf3: {  	s26 =	sadd.s32 @!p1 s9, s26;
	_ =	swait.ge @!p0 [sflag:s25], $0x400  }
0xf4: {  	s28 =	sshll.u32 @!p1 s26, $0xA;
	[sflag:s25] =	ssyncset.done @!p0 $0x0  }
0xf5: {  	[sflag:s25] =	ssyncadd.s32 @!p0 $0xFFFFFC00;
	s25 =	sand.u32 @!p1 $0x1FFFFC00, s28  }
0xf6: {  	s29 =	simm.s32 @!p1 $0xE350;
	s28 =	simm.s32 @!p1 $0x0;
	s25 =	sadd.s32 @!p1 s6, s25  }
0xf7: {  	[tilespmem:s29], [sflag:$0x2] =	stream.linear.gather @!p1 [hbm4b:s25+s28], $0x2000, $0x38;
	[tilespmem:$0x14B50] =	vst v63  }
0xf8: {  	s25 =	sshll.u32 @!p1 s26, $0x7  }
0xf9: {  	s25 =	sand.u32 @!p1 $0x1FFFFF80, s25  }
0xfa: {  	s26 =	simm.s32 @!p1 $0x10750;
	s25 =	sadd.s32 @!p1 s1, s25  }
0xfb: {  	[tilespmem:s26], [sflag:$0x2] =	stream.linear.gather @!p1 [hbm4b:s25+s28], $0x400, $0x38;
	[tilespmem:$0x14B50] =	vst v63  }
0xfc: {  	_ = 	snop  }
0xfd: {  	[spmem:s4] =	stream.indirect.scatter.add.f32 [tilespmem:s22], [sflag:$0x3], $0x8, s20, s23, $0xb8;
	[tilespmem:$0x14B50] =	vst v63  }
0xfe: {  	s30 =	simm.s32 $0x103D0;
	s31 =	simm.s32 $0x10F50  }
0xff: {  	[spmem:s4] =	stream.indirect.scatter.add.f32 [tilespmem:s31], [sflag:$0x3], $0x8, s30, s23, $0xb8;
	[tilespmem:$0x14B50] =	vst v63  }
0x100: {  	s29 =	simm.s32 $0x11350;
	s28 =	simm.s32 $0x10450  }
0x101: {  	[spmem:s4] =	stream.indirect.scatter.add.f32 [tilespmem:s29], [sflag:$0x3], $0x8, s28, s23, $0xb8;
	[tilespmem:$0x14B50] =	vst v63  }
0x102: {  	s30 =	simm.s32 $0x104D0;
	s31 =	simm.s32 $0x11750  }
0x103: {  	[spmem:s4] =	stream.indirect.scatter.add.f32 [tilespmem:s31], [sflag:$0x3], $0x8, s30, s23, $0xb8;
	[tilespmem:$0x14B50] =	vst v63  }
0x104: {  	s28 =	simm.s32 $0x10550;
	s29 =	simm.s32 $0x11B50  }
0x105: {  	[spmem:s4] =	stream.indirect.scatter.add.f32 [tilespmem:s29], [sflag:$0x3], $0x8, s28, s23, $0xb8;
	[tilespmem:$0x14B50] =	vst v63  }
0x106: {  	s30 =	simm.s32 $0x105D0;
	s31 =	simm.s32 $0x11F50  }
0x107: {  	[spmem:s4] =	stream.indirect.scatter.add.f32 [tilespmem:s31], [sflag:$0x3], $0x8, s30, s23, $0xb8;
	[tilespmem:$0x14B50] =	vst v63  }
0x108: {  	s28 =	simm.s32 $0x10650;
	s29 =	simm.s32 $0x12350  }
0x109: {  	[spmem:s4] =	stream.indirect.scatter.add.f32 [tilespmem:s29], [sflag:$0x3], $0x8, s28, s23, $0xb8;
	[tilespmem:$0x14B50] =	vst v63  }
0x10a: {  	s25 =	smov.u32 s2;
	s30 =	simm.s32 $0x106D0;
	s31 =	simm.s32 $0x12750  }
0x10b: {  	[spmem:s4] =	stream.indirect.scatter.add.f32 [tilespmem:s31], [sflag:$0x3], $0x8, s30, s23, $0xb8;
	[tilespmem:$0x14B50] =	vst v63  }
.LBB2_6:
0x10c: {  	p0 =	sge.u32 s24, s12  }
.Ltmp6:
0x10d: {  	_ = 	snop;
	(pc) =	sbr.rel @p0 .LBB2_10-.Ltmp6, $1  }
0x10e: {  	_ =	sdelay $0x3  }
0x10f: {  	s25 =	simm.s32 $0x8  }
0x110: {  	s26 =	simm.s32 $0x2;
	v2 =	vmov s25  }
0x111: {  	s31 =	simm.s32 $0x6;
	v4 =	vmov s26;
	v2 =	vshll.u32 v2, $0x3  }
0x112: {  	_ =	swait.ge [sflag:s14], $0x2000;
	v3 =	vmov s31;
	v4 =	vshll.u32 v4, $0x3;
	v2 =	vor.u32 v0, v2  }
0x113: {  	[sflag:s14] =	ssyncset.done $0x0;
	v3 =	vshll.u32 v3, $0x3;
	v4 =	vor.u32 v0, v4;
	v14 =	vor.u32 v1, v2  }
0x114: {  	[sflag:s14] =	ssyncadd.s32 $0xFFFFE000;
	v2 =	vor.u32 v0, v3;
	v6 =	vor.u32 v1, v4  }
0x115: {  	s28 =	simm.s32 $0xA;
	s30 =	simm.s32 $0x4;
	_ =	swait.ge [sflag:s14], $0x400;
	v2 =	vor.u32 v1, v2  }
0x116: {  	s29 =	simm.s32 $0x0;
	s26 =	simm.s32 $0xC;
	v5 =	vmov s28;
	v7 =	vmov s30;
	[sflag:s14] =	ssyncset.done $0x0  }
0x117: {  	v5 =	vshll.u32 v5, $0x3;
	v3 =	vmov s26;
	v4 =	vmov s29;
	[sflag:s14] =	ssyncadd.s32 $0xFFFFFC00  }
0x118: {  	v5 =	vor.u32 v0, v5;
	v3 =	vshll.u32 v3, $0x3;
	v4 =	vshll.u32 v4, $0x3;
	v16 =	vld.idx.msk [tilespmem:v14+s7+$0x0], $0xffff  }
0x119: {  	v8 =	vor.u32 v0, v4;
	v4 =	vor.u32 v1, v5;
	v5 =	vshll.u32 v7, $0x3;
	v7 =	vld.idx.msk [tilespmem:v6+s7+$0x0], $0xffff  }
0x11a: {  	v3 =	vor.u32 v0, v3;
	v11 =	vld.idx.msk [tilespmem:v2+s7+$0x0], $0xffff  }
0x11b: {  	v3 =	vor.u32 v1, v3  }
0x11c: {  	v17 =	vor.u32 v1, v8;
	v5 =	vor.u32 v0, v5  }
0x11d: {  	v5 =	vor.u32 v1, v5;
	v10 =	vshra.s32 v16, $0x17;
	v12 =	vand.u32 $0x7FFFFF, v16  }
0x11e: {  	s31 =	simm.s32 $0xE;
	v8 =	vld.idx.msk [tilespmem:v4+s7+$0x0], $0xffff;
	v22 =	vshra.s32 v7, $0x17;
	v25 =	vand.u32 $0x7FFFFF, v7;
	v10 =	vsub.s32 $0x7F, v10  }
0x11f: {  	v13 =	vor.u32 $0x3F800000, v12;
	v12 =	vmov s31;
	v15 =	vand.u32 $0x7FFFFF, v11  }
0x120: {  	v9 =	vld.idx.msk [tilespmem:v3+s7+$0x0], $0xffff;
	v21 =	vshra.s32 v11, $0x17;
	v22 =	vsub.s32 $0x7F, v22;
	v19 =	vadd.f32 $1.000000000e+00, v13  }
0x121: {  	v25 =	vor.u32 $0x3F800000, v25;
	v18 =	vcvt.s32.f32 v10;
	v15 =	vor.u32 $0x3F800000, v15  }
0x122: {  	v10 =	vld.idx.msk [tilespmem:v5+s7+$0x0], $0xffff;
	v21 =	vsub.s32 $0x7F, v21;
	(erf) = vrcp.f32 v19;
	v19 =	vadd.f32 $1.000000000e+00, v15  }
0x123: {  	v20 =	vld.idx.msk [tilespmem:v17+s7+$0x0], $0xffff;
	v12 =	vshll.u32 v12, $0x3;
	v24 =	vshra.s32 v8, $0x17;
	v26 =	vand.u32 $0x7FFFFF, v8  }
0x124: {  	v28 =	vadd.f32 $1.000000000e+00, v25;
	v13 =	vsub.f32 $1.000000000e+00, v13;
	(erf) = vrcp.f32 v19  }
0x125: {  	v22 =	vcvt.s32.f32 v22;
	v21 =	vcvt.s32.f32 v21;
	v23 =	vand.u32 $0x7FFFFF, v9  }
0x126: {  	v12 =	vor.u32 v0, v12;
	v26 =	vor.u32 $0x3F800000, v26;
	v35 =	vshra.s32 v9, $0x17  }
0x127: {  	v24 =	vsub.s32 $0x7F, v24;
	v23 =	vor.u32 $0x3F800000, v23;
	v27 =	vand.u32 $0x7FFFFF, v10  }
0x128: {  	v12 =	vor.u32 v1, v12;
	v19 =	vand.u32 $0x7FFFFF, v20;
	v27 =	vor.u32 $0x3F800000, v27  }
0x129: {  	v15 =	vsub.f32 $1.000000000e+00, v15;
	v19 =	vor.u32 $0x3F800000, v19;
	v31 =	vadd.f32 $1.000000000e+00, v27  }
0x12a: {  	v45 =	vadd.f32 $1.000000000e+00, v26;
	v38 =	vmul.f32 $6.931471820e-01, v18;
	v30 =	vadd.f32 $1.000000000e+00, v19  }
0x12b: {  	v24 =	vcvt.s32.f32 v24;
	v29 =	vadd.f32 $1.000000000e+00, v23;
	(erf) = vrcp.f32 v28  }
0x12c: {  	v37 =	vmul.f32 $6.931471820e-01, v21;
	v21 =	vsub.f32 $1.000000000e+00, v23;
	v33 =	vpop (erf);
	(erf) = vrcp.f32 v30  }
0x12d: {  	v28 =	vshra.s32 v20, $0x17;
	v32 =	vshra.s32 v10, $0x17;
	(erf) = vrcp.f32 v31;
	v31 =	vpop (erf)  }
0x12e: {  	v28 =	vsub.s32 $0x7F, v28;
	v30 =	vmul.f32 v33, v13;
	v13 =	vld.idx.msk [tilespmem:v12+s7+$0x0], $0xffff;
	v31 =	vmul.f32 v31, v15  }
0x12f: {  	v32 =	vsub.s32 $0x7F, v32;
	v28 =	vcvt.s32.f32 v28;
	(erf) = vrcp.f32 v29  }
0x130: {  	v19 =	vsub.f32 $1.000000000e+00, v19;
	v32 =	vcvt.s32.f32 v32;
	v36 =	vmul.f32 v31, v31  }
0x131: {  	v27 =	vsub.f32 $1.000000000e+00, v27;
	v28 =	vmul.f32 $6.931471820e-01, v28;
	v34 =	vmul.f32 v30, v30  }
0x132: {  	v15 =	vmul.f32 $6.931471820e-01, v22;
	v30 =	vadd.f32 v30, v30;
	v23 =	vmul.f32 $1.428571490e-01, v36  }
0x133: {  	v22 =	vsub.f32 $1.000000000e+00, v25;
	v31 =	vadd.f32 v31, v31;
	v18 =	vand.u32 $0x7FFFFF, v13  }
0x134: {  	v39 =	vpop (erf);
	v25 =	vmul.f32 v34, v30;
	v18 =	vor.u32 $0x3F800000, v18;
	v23 =	vadd.f32 $2.000000030e-01, v23  }
0x135: {  	v29 =	vmul.f32 v39, v22;
	v49 =	vmul.f32 v36, v31;
	v22 =	vadd.f32 $1.000000000e+00, v18;
	v46 =	vpop (erf)  }
0x136: {  	v26 =	vsub.f32 $1.000000000e+00, v26;
	v19 =	vmul.f32 v46, v19;
	v47 =	vpop (erf);
	v23 =	vmul.f32 v23, v36  }
0x137: {  	v44 =	vshra.s32 v13, $0x17;
	(erf) = vrcp.f32 v22;
	v27 =	vmul.f32 v47, v27  }
0x138: {  	(erf) = vrcp.f32 v45;
	v42 =	vpop (erf);
	v48 =	vmul.f32 v19, v19;
	v23 =	vadd.f32 $3.333333430e-01, v23  }
0x139: {  	v40 =	vsub.f32 $1.000000000e+00, v18;
	v42 =	vmul.f32 v42, v21;
	v50 =	vmul.f32 v27, v27  }
0x13a: {  	v51 =	vadd.f32 v19, v19;
	v18 =	vmul.f32 $1.428571490e-01, v48;
	v19 =	vmul.f32 v23, v49  }
0x13b: {  	v52 =	vadd.f32 v29, v29;
	v23 =	vmul.f32 v29, v29;
	v29 =	vmul.f32 $1.428571490e-01, v34  }
0x13c: {  	v53 =	vmul.f32 v42, v42;
	v39 =	vmul.f32 v48, v51;
	v18 =	vadd.f32 $2.000000030e-01, v18  }
0x13d: {  	v19 =	vadd.f32 v19, v31;
	v31 =	vmul.f32 $1.428571490e-01, v23;
	v29 =	vadd.f32 $2.000000030e-01, v29  }
0x13e: {  	v21 =	vadd.f32 v27, v27;
	v41 =	vmul.f32 $1.428571490e-01, v50;
	v43 =	vmul.f32 v18, v48  }
0x13f: {  	v55 =	vmul.f32 $1.428571490e-01, v53;
	v27 =	vadd.f32 $2.000000030e-01, v31;
	v29 =	vmul.f32 v29, v34  }
0x140: {  	v45 =	vmul.f32 v23, v52;
	v18 =	vadd.f32 v19, v37;
	v54 =	vadd.f32 $3.333333430e-01, v43  }
0x141: {  	v19 =	vpop (erf);
	v23 =	vmul.f32 v27, v23;
	v57 =	vadd.f32 $3.333333430e-01, v29;
	v29 =	vmul.f32 v50, v21  }
0x142: {  	v27 =	vsub.s32 $0x7F, v44;
	v31 =	vmul.f32 v19, v40;
	v19 =	vmul.f32 $6.931471820e-01, v24  }
0x143: {  	v60 =	vadd.f32 $2.000000030e-01, v41;
	v56 =	vpop (erf);
	v39 =	vmul.f32 v54, v39;
	v27 =	vcvt.s32.f32 v27  }
0x144: {  	v26 =	vmul.f32 v56, v26;
	v58 =	vadd.f32 $3.333333430e-01, v23;
	v59 =	vmul.f32 v57, v25  }
0x145: {  	v24 =	vadd.f32 v31, v31;
	v31 =	vmul.f32 v31, v31;
	v33 =	vadd.f32 v39, v51  }
0x146: {  	v25 =	vmul.f32 $6.931471820e-01, v27;
	v23 =	vadd.f32 v26, v26;
	v26 =	vmul.f32 v26, v26  }
0x147: {  	v27 =	vadd.f32 v59, v30;
	v28 =	vadd.f32 v33, v28;
	v30 =	vmul.f32 $1.428571490e-01, v31  }
0x148: {  	v22 =	vsub.s32 $0x7F, v35;
	v34 =	vmul.f32 v58, v45;
	v33 =	vmul.f32 v60, v50  }
0x149: {  	v38 =	vadd.f32 v27, v38;
	v61 =	vmul.f32 v28, v20;
	v30 =	vadd.f32 $2.000000030e-01, v30  }
0x14a: {  	v62 =	vadd.f32 $2.000000030e-01, v55;
	v28 =	vmul.f32 v31, v24;
	v20 =	vmul.f32 $6.931471820e-01, v32  }
0x14b: {  	v27 =	vadd.f32 v42, v42;
	v16 =	vmul.f32 v38, v16;
	v63 =	vmul.f32 v30, v31  }
0x14c: {  	v32 =	vadd.f32 $3.333333430e-01, v33;
	[tilespmem:v17+s17+$0x0] =	vst.idx.msk $0xffff, v61;
	v30 =	vadd.f32 v34, v52;
	v17 =	vmul.f32 $1.428571490e-01, v26  }
0x14d: {  	s25 =	simm.s32 $0x0;
	s26 =	simm.s32 $0x1E;
	v31 =	vmul.f32 v62, v53;
	[tilespmem:v14+s17+$0x0] =	vst.idx.msk $0xffff, v16;
	v14 =	vmul.f32 v53, v27;
	v16 =	vadd.f32 $3.333333430e-01, v63  }
.LBB2_8:
0x14e: {  	s28 =	sadd.s32 $0xFFFFFFF2, s26;
	s29 =	sadd.s32 $0xFFFFFFF4, s26;
	s30 =	sadd.s32 $0xFFFFFFF6, s26;
	v15 =	vadd.f32 v30, v15;
	v29 =	vmul.f32 v32, v29;
	v22 =	vcvt.s32.f32 v22  }
0x14f: {  	s31 =	sadd.s32 $0xFFFFFFFC, s26;
	v30 =	vmov s28;
	v32 =	vmov s29;
	s28 =	sadd.s32 $0xFFFFFFF8, s26;
	s29 =	sadd.s32 $0xFFFFFFFA, s26;
	v31 =	vadd.f32 $3.333333430e-01, v31  }
0x150: {  	s25 =	sadd.s32 $0x8, s25;
	v17 =	vadd.f32 $2.000000030e-01, v17;
	v33 =	vmov s28;
	v34 =	vmov s29;
	s28 =	sadd.s32 $0xFFFFFFFE, s26  }
0x151: {  	v36 =	vmul.f32 v26, v23;
	p0 =	slt.u32 s25, $0x1F8;
	v30 =	vshll.u32 v30, $0x3;
	v35 =	vmov s28  }
0x152: {  	v37 =	vmov s30;
	v33 =	vshll.u32 v33, $0x3;
	v31 =	vmul.f32 v31, v14  }
0x153: {  	v32 =	vshll.u32 v32, $0x3;
	v22 =	vmul.f32 $6.931471820e-01, v22;
	v14 =	vshll.u32 v34, $0x3  }
0x154: {  	v16 =	vmul.f32 v16, v28;
	v34 =	vmov s31;
	v14 =	vor.u32 v0, v14  }
0x155: {  	v17 =	vmul.f32 v17, v26;
	v28 =	vor.u32 v0, v33;
	v14 =	vor.u32 v1, v14  }
0x156: {  	v24 =	vadd.f32 v16, v24;
	v26 =	vor.u32 v1, v28;
	v28 =	vshll.u32 v35, $0x3  }
0x157: {  	v30 =	vor.u32 v0, v30;
	v16 =	vor.u32 v0, v32;
	v27 =	vadd.f32 v31, v27  }
0x158: {  	v21 =	vadd.f32 v29, v21;
	v31 =	vor.u32 v1, v16;
	v16 =	vshll.u32 v34, $0x3  }
0x159: {  	v32 =	vadd.f32 $3.333333430e-01, v17;
	v29 =	vor.u32 v0, v16;
	v28 =	vor.u32 v0, v28  }
0x15a: {  	v33 =	vshll.u32 v37, $0x3;
	v29 =	vor.u32 v1, v29;
	v28 =	vor.u32 v1, v28;
	v16 =	vld.idx.msk [tilespmem:v14+s7+$0x0], $0xffff  }
0x15b: {  	v17 =	vor.u32 v1, v30;
	v30 =	vor.u32 v0, v33;
	v32 =	vmul.f32 v32, v36  }
0x15c: {  	v24 =	vadd.f32 v24, v25;
	v30 =	vor.u32 v1, v30;
	v22 =	vadd.f32 v27, v22;
	v33 =	vld.idx.msk [tilespmem:v26+s7+$0x0], $0xffff  }
0x15d: {  	v15 =	vmul.f32 v15, v7;
	v20 =	vadd.f32 v21, v20;
	v21 =	vadd.f32 v32, v23  }
0x15e: {  	v11 =	vmul.f32 v18, v11;
	v13 =	vmul.f32 v24, v13;
	v7 =	vld.idx.msk [tilespmem:v31+s7+$0x0], $0xffff  }
0x15f: {  	v23 =	vmul.f32 v20, v10;
	v18 =	vld.idx.msk [tilespmem:v28+s7+$0x0], $0xffff;
	[tilespmem:v6+s17+$0x0] =	vst.idx.msk $0xffff, v15;
	v15 =	vadd.f32 v21, v19  }
0x160: {  	v9 =	vmul.f32 v22, v9;
	v10 =	vshra.s32 v16, $0x17;
	v19 =	vand.u32 $0x7FFFFF, v16;
	v21 =	vld.idx.msk [tilespmem:v29+s7+$0x0], $0xffff;
	[tilespmem:v12+s17+$0x0] =	vst.idx.msk $0xffff, v13  }
0x161: {  	v6 =	vmovc v31;
	v12 =	vsub.s32 $0x7F, v10;
	v13 =	vor.u32 $0x3F800000, v19;
	v19 =	vmov s26;
	v20 =	vld.idx.msk [tilespmem:v17+s7+$0x0], $0xffff;
	[tilespmem:v5+s17+$0x0] =	vst.idx.msk $0xffff, v23;
	v5 =	vmovc v30  }
0x162: {  	v22 =	vand.u32 $0x7FFFFF, v33;
	v23 =	vcvt.s32.f32 v12;
	v12 =	vadd.f32 $1.000000000e+00, v13;
	v10 =	vld.idx.msk [tilespmem:v30+s7+$0x0], $0xffff;
	[tilespmem:v2+s17+$0x0] =	vst.idx.msk $0xffff, v11;
	v2 =	vmovc v26  }
0x163: {  	v24 =	vshra.s32 v33, $0x17;
	v27 =	vmul.f32 v15, v8;
	v22 =	vor.u32 $0x3F800000, v22;
	[tilespmem:v3+s17+$0x0] =	vst.idx.msk $0xffff, v9;
	v3 =	vmovc v28  }
0x164: {  	v26 =	vsub.s32 $0x7F, v24;
	v11 =	vmovc v33;
	v15 =	vshra.s32 v7, $0x17;
	(erf) = vrcp.f32 v12  }
0x165: {  	v24 =	vcvt.s32.f32 v26;
	v12 =	vadd.f32 $1.000000000e+00, v22;
	v25 =	vand.u32 $0x7FFFFF, v18;
	v9 =	vmovc v18;
	[tilespmem:v4+s17+$0x0] =	vst.idx.msk $0xffff, v27;
	v4 =	vmovc v29  }
0x166: {  	v19 =	vshll.u32 v19, $0x3;
	v15 =	vsub.s32 $0x7F, v15;
	v18 =	vor.u32 $0x3F800000, v25;
	v8 =	vmovc v21  }
0x167: {  	v21 =	vand.u32 $0x7FFFFF, v20;
	v25 =	vshra.s32 v8, $0x17;
	(erf) = vrcp.f32 v12  }
0x168: {  	v19 =	vor.u32 v0, v19;
	v26 =	vand.u32 $0x7FFFFF, v8;
	v12 =	vand.u32 $0x7FFFFF, v7  }
0x169: {  	v21 =	vor.u32 $0x3F800000, v21;
	v27 =	vor.u32 $0x3F800000, v12;
	v12 =	vor.u32 v1, v19  }
0x16a: {  	v29 =	vadd.f32 $1.000000000e+00, v18;
	v28 =	vand.u32 $0x7FFFFF, v10;
	v19 =	vadd.f32 $1.000000000e+00, v27  }
0x16b: {  	v26 =	vor.u32 $0x3F800000, v26;
	v30 =	vadd.f32 $1.000000000e+00, v21;
	v28 =	vor.u32 $0x3F800000, v28  }
0x16c: {  	v13 =	vsub.f32 $1.000000000e+00, v13;
	v31 =	vadd.f32 $1.000000000e+00, v28;
	(erf) = vrcp.f32 v19  }
0x16d: {  	v32 =	vshra.s32 v10, $0x17;
	v33 =	vadd.f32 $1.000000000e+00, v26;
	v19 =	vshra.s32 v20, $0x17;
	v34 =	vpop (erf)  }
0x16e: {  	v19 =	vsub.s32 $0x7F, v19;
	v34 =	vmul.f32 v34, v13;
	v13 =	vld.idx.msk [tilespmem:v12+s7+$0x0], $0xffff;
	(erf) = vrcp.f32 v30  }
0x16f: {  	v22 =	vsub.f32 $1.000000000e+00, v22;
	v19 =	vcvt.s32.f32 v19;
	(erf) = vrcp.f32 v31  }
0x170: {  	v15 =	vcvt.s32.f32 v15;
	v30 =	vsub.s32 $0x7F, v32;
	v31 =	vmul.f32 v34, v34;
	v32 =	vpop (erf)  }
0x171: {  	v30 =	vcvt.s32.f32 v30;
	v22 =	vmul.f32 v32, v22;
	v32 =	vshra.s32 v9, $0x17  }
0x172: {  	v24 =	vmul.f32 $6.931471820e-01, v24;
	v15 =	vmul.f32 $6.931471820e-01, v15;
	v21 =	vsub.f32 $1.000000000e+00, v21  }
0x173: {  	v18 =	vsub.f32 $1.000000000e+00, v18;
	v34 =	vadd.f32 v34, v34;
	v35 =	vmul.f32 v22, v22  }
0x174: {  	v36 =	vmul.f32 $6.931471820e-01, v23;
	v27 =	vsub.f32 $1.000000000e+00, v27;
	v23 =	vand.u32 $0x7FFFFF, v13  }
0x175: {  	v38 =	vmul.f32 v31, v34;
	v23 =	vor.u32 $0x3F800000, v23;
	v37 =	vmul.f32 $1.428571490e-01, v35;
	v39 =	vpop (erf)  }
0x176: {  	v27 =	vmul.f32 v39, v27;
	v39 =	vadd.f32 $1.000000000e+00, v23;
	(erf) = vrcp.f32 v29  }
0x177: {  	v40 =	vmul.f32 $6.931471820e-01, v19;
	v19 =	vsub.f32 $1.000000000e+00, v28;
	v28 =	vadd.f32 $2.000000030e-01, v37;
	v29 =	vpop (erf)  }
0x178: {  	v25 =	vsub.s32 $0x7F, v25;
	v21 =	vmul.f32 v29, v21;
	v29 =	vpop (erf);
	(erf) = vrcp.f32 v39  }
0x179: {  	v19 =	vmul.f32 v29, v19;
	v28 =	vmul.f32 v28, v35;
	v29 =	vadd.f32 v22, v22  }
0x17a: {  	v25 =	vcvt.s32.f32 v25;
	v22 =	vsub.s32 $0x7F, v32;
	v37 =	vmul.f32 v21, v21  }
0x17b: {  	v28 =	vadd.f32 $3.333333430e-01, v28;
	v32 =	vmul.f32 v35, v29  }
0x17c: {  	v23 =	vsub.f32 $1.000000000e+00, v23;
	v35 =	vmul.f32 v19, v19;
	(erf) = vrcp.f32 v33  }
0x17d: {  	v39 =	vadd.f32 v21, v21;
	v33 =	vmul.f32 $1.428571490e-01, v37;
	v42 =	vmul.f32 v28, v32  }
0x17e: {  	v28 =	vmul.f32 v27, v27;
	v32 =	vadd.f32 v27, v27;
	v27 =	vmul.f32 $1.428571490e-01, v35  }
0x17f: {  	v41 =	vmul.f32 $1.428571490e-01, v31;
	v33 =	vadd.f32 $2.000000030e-01, v33;
	v29 =	vadd.f32 v42, v29;
	v21 =	vpop (erf)  }
0x180: {  	v26 =	vsub.f32 $1.000000000e+00, v26;
	v42 =	vmul.f32 $1.428571490e-01, v28;
	v43 =	vmul.f32 v21, v18  }
0x181: {  	v33 =	vmul.f32 v33, v37;
	v21 =	vadd.f32 v19, v19;
	v18 =	vadd.f32 v29, v24;
	v19 =	vpop (erf)  }
0x182: {  	v29 =	vadd.f32 $2.000000030e-01, v42;
	v42 =	vmul.f32 v43, v43;
	v23 =	vmul.f32 v19, v23  }
0x183: {  	v37 =	vmul.f32 v37, v39;
	v24 =	vadd.f32 $2.000000030e-01, v41;
	v19 =	vmul.f32 $6.931471820e-01, v25  }
0x184: {  	v41 =	vshra.s32 v13, $0x17;
	v25 =	vadd.f32 $3.333333430e-01, v33;
	v33 =	vmul.f32 $1.428571490e-01, v42  }
0x185: {  	v44 =	vmul.f32 v28, v32;
	v31 =	vmul.f32 v24, v31;
	v24 =	vadd.f32 v23, v23;
	v45 =	vpop (erf)  }
0x186: {  	v28 =	vmul.f32 v29, v28;
	v29 =	vsub.s32 $0x7F, v41;
	v25 =	vmul.f32 v25, v37  }
0x187: {  	v37 =	vmul.f32 v23, v23;
	v31 =	vadd.f32 $3.333333430e-01, v31;
	v26 =	vmul.f32 v45, v26  }
0x188: {  	v25 =	vadd.f32 v25, v39;
	v39 =	vadd.f32 $3.333333430e-01, v28;
	v28 =	vcvt.s32.f32 v29  }
0x189: {  	v29 =	vmul.f32 v35, v21;
	v31 =	vmul.f32 v31, v38;
	v23 =	vadd.f32 v26, v26  }
0x18a: {  	v38 =	vadd.f32 v25, v40;
	v26 =	vmul.f32 v26, v26;
	v25 =	vmul.f32 $6.931471820e-01, v28  }
0x18b: {  	v27 =	vadd.f32 $2.000000030e-01, v27;
	v31 =	vadd.f32 v31, v34;
	v34 =	vmul.f32 $1.428571490e-01, v37  }
0x18c: {  	v33 =	vadd.f32 $2.000000030e-01, v33;
	v28 =	vmul.f32 v37, v24;
	v20 =	vmul.f32 v38, v20  }
.Ltmp7:
0x18d: {  	v38 =	vmul.f32 v39, v44;
	v31 =	vadd.f32 v31, v36;
	v34 =	vadd.f32 $2.000000030e-01, v34;
	(pc) =	sbr.rel @p0 .LBB2_8-.Ltmp7, $4  }
0x18e: {  	[tilespmem:v17+s17+$0x0] =	vst.idx.msk $0xffff, v20;
	v17 =	vmul.f32 v27, v35;
	v20 =	vmul.f32 $6.931471820e-01, v30;
	v27 =	vadd.f32 v43, v43  }
0x18f: {  	v16 =	vmul.f32 v31, v16;
	v34 =	vmul.f32 v34, v37  }
0x190: {  	v30 =	vadd.f32 v38, v32;
	v32 =	vadd.f32 $3.333333430e-01, v17;
	v17 =	vmul.f32 $1.428571490e-01, v26  }
0x191: {  	s26 =	sadd.s32 $0x10, s26;
	v31 =	vmul.f32 v33, v42;
	[tilespmem:v14+s17+$0x0] =	vst.idx.msk $0xffff, v16;
	v14 =	vmul.f32 v42, v27;
	v16 =	vadd.f32 $3.333333430e-01, v34  }
0x192: {  	v17 =	vadd.f32 $2.000000030e-01, v17;
	_ =	sdelay $0x1  }
0x193: {  	v17 =	vmul.f32 v17, v26  }
0x194: {  	v57 =	vmul.f32 v32, v29;
	v22 =	vcvt.s32.f32 v22;
	v58 =	vadd.f32 $3.333333430e-01, v31  }
0x195: {  	v59 =	vmul.f32 v26, v23;
	v16 =	vmul.f32 v16, v28;
	v17 =	vadd.f32 $3.333333430e-01, v17  }
0x196: {  	v15 =	vadd.f32 v30, v15;
	v21 =	vadd.f32 v57, v21;
	v14 =	vmul.f32 v58, v14  }
0x197: {  	v62 =	vmul.f32 v18, v11;
	v16 =	vadd.f32 v16, v24;
	v17 =	vmul.f32 v17, v59  }
0x198: {  	v22 =	vmul.f32 $6.931471820e-01, v22;
	v60 =	vadd.f32 v21, v20;
	v14 =	vadd.f32 v14, v27  }
0x199: {  	v7 =	vmul.f32 v15, v7;
	v16 =	vadd.f32 v16, v25;
	v17 =	vadd.f32 v17, v23  }
0x19a: {  	[tilespmem:v2+s17+$0x0] =	vst.idx.msk $0xffff, v62;
	v61 =	vmul.f32 v60, v10;
	v14 =	vadd.f32 v14, v22  }
0x19b: {  	[tilespmem:v6+s17+$0x0] =	vst.idx.msk $0xffff, v7;
	v13 =	vmul.f32 v16, v13;
	v63 =	vadd.f32 v17, v19  }
0x19c: {  	[tilespmem:v5+s17+$0x0] =	vst.idx.msk $0xffff, v61;
	v9 =	vmul.f32 v14, v9  }
0x19d: {  	[tilespmem:v12+s17+$0x0] =	vst.idx.msk $0xffff, v13;
	v2 =	vmul.f32 v63, v8  }
0x19e: {  	[tilespmem:v3+s17+$0x0] =	vst.idx.msk $0xffff, v9  }
0x19f: {  	[tilespmem:v4+s17+$0x0] =	vst.idx.msk $0xffff, v2  }
0x1a0: {  	_ =	swait.ge [sflag:s16], $0x400  }
0x1a1: {  	[sflag:s16] =	ssyncset.done $0x0  }
0x1a2: {  	[sflag:s16] =	ssyncadd.s32 $0xFFFFFC00  }
0x1a3: {  	_ =	swait.ge [sflag:s16], $0x400  }
0x1a4: {  	[sflag:s16] =	ssyncset.done $0x0  }
0x1a5: {  	[sflag:s16] =	ssyncadd.s32 $0xFFFFFC00  }
0x1a6: {  	_ =	swait.ge [sflag:s16], $0x400  }
0x1a7: {  	[sflag:s16] =	ssyncset.done $0x0  }
0x1a8: {  	[sflag:s16] =	ssyncadd.s32 $0xFFFFFC00  }
0x1a9: {  	_ =	swait.ge [sflag:s16], $0x400  }
0x1aa: {  	[sflag:s16] =	ssyncset.done $0x0  }
0x1ab: {  	[sflag:s16] =	ssyncadd.s32 $0xFFFFFC00  }
0x1ac: {  	_ =	swait.ge [sflag:s16], $0x400  }
0x1ad: {  	[sflag:s16] =	ssyncset.done $0x0  }
0x1ae: {  	[sflag:s16] =	ssyncadd.s32 $0xFFFFFC00  }
0x1af: {  	_ =	swait.ge [sflag:s16], $0x400  }
0x1b0: {  	[sflag:s16] =	ssyncset.done $0x0  }
0x1b1: {  	[sflag:s16] =	ssyncadd.s32 $0xFFFFFC00  }
0x1b2: {  	s24 =	sadd.s32 $0x2, s24;
	_ =	swait.ge [sflag:s16], $0x400  }
0x1b3: {  	p0 =	sge.u32 s24, s8;
	[sflag:s16] =	ssyncset.done $0x0  }
0x1b4: {  	s24 =	sadd.s32 @!p0 s9, s24;
	s26 =	simm.s32 @!p0 $0x0;
	[sflag:s16] =	ssyncadd.s32 $0xFFFFFC00  }
0x1b5: {  	s28 =	simm.s32 @!p0 $0xC350;
	s25 =	sshll.u32 @!p0 s24, $0xA;
	_ =	swait.ge [sflag:s16], $0x400  }
0x1b6: {  	s24 =	sshll.u32 @!p0 s24, $0x7;
	s25 =	sand.u32 @!p0 $0x1FFFFC00, s25;
	[sflag:s16] =	ssyncset.done $0x0  }
0x1b7: {  	s24 =	sand.u32 @!p0 $0x1FFFFF80, s24;
	s25 =	sadd.s32 @!p0 s6, s25;
	[sflag:s16] =	ssyncadd.s32 $0xFFFFFC00  }
0x1b8: {  	[tilespmem:s28], [sflag:$0x1] =	stream.linear.gather @!p0 [hbm4b:s25+s26], $0x2000, $0x38;
	[tilespmem:$0x14B50] =	vst v63  }
0x1b9: {  	s24 =	sadd.s32 @!p0 s1, s24;
	s25 =	simm.s32 @!p0 $0x10350  }
0x1ba: {  	[tilespmem:s25], [sflag:$0x1] =	stream.linear.gather @!p0 [hbm4b:s24+s26], $0x400, $0x38;
	[tilespmem:$0x14B50] =	vst v63  }
0x1bb: {  	s29 =	simm.s32 $0x10750  }
0x1bc: {  	[spmem:s4] =	stream.indirect.scatter.add.f32 [tilespmem:s17], [sflag:$0x4], $0x8, s29, s23, $0xb8;
	[tilespmem:$0x14B50] =	vst v63  }
0x1bd: {  	s30 =	simm.s32 $0x107D0;
	s31 =	simm.s32 $0x12F50  }
0x1be: {  	[spmem:s4] =	stream.indirect.scatter.add.f32 [tilespmem:s31], [sflag:$0x4], $0x8, s30, s23, $0xb8;
	[tilespmem:$0x14B50] =	vst v63  }
0x1bf: {  	s25 =	simm.s32 $0x10850;
	s26 =	simm.s32 $0x13350  }
0x1c0: {  	[spmem:s4] =	stream.indirect.scatter.add.f32 [tilespmem:s26], [sflag:$0x4], $0x8, s25, s23, $0xb8;
	[tilespmem:$0x14B50] =	vst v63  }
0x1c1: {  	s28 =	simm.s32 $0x108D0;
	s29 =	simm.s32 $0x13750  }
0x1c2: {  	[spmem:s4] =	stream.indirect.scatter.add.f32 [tilespmem:s29], [sflag:$0x4], $0x8, s28, s23, $0xb8;
	[tilespmem:$0x14B50] =	vst v63  }
0x1c3: {  	s30 =	simm.s32 $0x10950;
	s31 =	simm.s32 $0x13B50  }
0x1c4: {  	[spmem:s4] =	stream.indirect.scatter.add.f32 [tilespmem:s31], [sflag:$0x4], $0x8, s30, s23, $0xb8;
	[tilespmem:$0x14B50] =	vst v63  }
0x1c5: {  	_ = 	snop  }
0x1c6: {  	[spmem:s4] =	stream.indirect.scatter.add.f32 [tilespmem:s3], [sflag:$0x4], $0x8, s0, s23, $0xb8;
	[tilespmem:$0x14B50] =	vst v63  }
.Ltmp8:
0x1c7: {  	_ = 	snop;
	(pc) =	sbr.rel .LBB2_10-.Ltmp8, $4  }
0x1c8: {  	_ = 	snop  }
0x1c9: {  	[spmem:s4] =	stream.indirect.scatter.add.f32 [tilespmem:s10], [sflag:$0x4], $0x8, s5, s23, $0xb8;
	[tilespmem:$0x14B50] =	vst v63  }
0x1ca: {  	s25 =	smov.u32 s2  }
0x1cb: {  	[spmem:s4] =	stream.indirect.scatter.add.f32 [tilespmem:s13], [sflag:$0x4], $0x8, s11, s23, $0xb8;
	[tilespmem:$0x14B50] =	vst v63  }
.LBB2_12:
0x1cc: {  	_ =	sfence.sel $0x180000  }
0x1cd: {  	[bflag:$0x0] =	sbarrier.arrive $0xFFFF  }
0x1ce: {  	_ =	strace $0x90000047  }
0x1cf: {  	s0 =	stileid.u32;
	[bflag:$0x2] =	sbarrier.arrive $0xFFFF  }
0x1d0: {  	p0 =	sne.s32 s0, $0x0;
	s0 =	rddreg [dreg:$0x4]  }
0x1d1: {  	s0 =	sadd.s32 @!p0 $0x100000, s0  }
0x1d2: {  	[sflag:s0] =	ssyncadd.tile.s32 @!p0 $0x1;
	_ =	shalt  }
.Lfunc_end2:
_tile_overlayer_lowered:
.L_overlay_start_2:
0x1d3: {  	(tag) =	ssettag $0x2  }
0x1d4: {  	s0 =	rddreg [dreg:$0x0];
	s2 =	stileid.u32  }
0x1d5: {  	s1 =	rddreg [dreg:$0x1];
	p0 =	sne.s32 s2, $0x0  }
0x1d6: {  	s3 =	rddreg [dreg:$0x2];
	[bflag:$0x3] =	sbarrier.arrive $0xFFFF;
	s2 =	simm.s32 @!p0 $0x1C05  }
0x1d7: {  	[timem:s3], [sflag:s2] =	dma.local @!p0 [hbm:s0], s1  }
0x1d8: {  	s0 =	simm.s32 @!p0 $0x5  }
0x1d9: {  	_ =	swait.ge @!p0 [sflag:s0], s1  }
0x1da: {  	s1 =	ssub.s32 @!p0 $0x0, s1;
	[sflag:s0] =	ssyncset.done @!p0 $0x0  }
0x1db: {  	[sflag:s0] =	ssyncadd.s32 @!p0 s1  }
0x1dc: {  	[bflag:$0x3] =	sbarrier.arrive $0xFFFF  }
0x1dd: {  	_ =	shalt  }

</sc_bundles>
